<compile_context>
chip_gen: v7x
topology: tpu7x:2x2x1
jax: 0.10.2.dev20260603
libtpu: 0.0.44.dev20260713+nightly
codegen_flags: <defaults>
</compile_context>

<pallas_src>
import functools

import jax
import jax.numpy as jnp
from jax import lax
from jax.experimental import pallas as pl
from jax.experimental.pallas import tpu as pltpu
from jax.experimental.pallas import tpu_sc as plsc

N = 10000
D = 128
K = 20
RB = 400
NEG = -3e38

N_PAD = 10240
TILES = 32
SLOTS = 32
SRWS = 160
SGS = N_PAD // SRWS
DUMMY = N
FPT = D // TILES



NC = 80
NL = N_PAD // NC


def _topk_body(xn_blk_ref, xn_all_ref, vals_ref, idx_ref, a_ref, m1_ref):
    xn_blk = xn_blk_ref[...]
    xn_all = xn_all_ref[...]
    adj = jax.lax.dot_general(
        xn_blk, xn_all, (((1,), (1,)), ((), ())),
        preferred_element_type=jnp.float32)
    a0 = jnp.concatenate(
        [adj, jnp.full((RB, N_PAD - N), NEG, jnp.float32)],
        axis=1).reshape(RB, NC, NL)
    a_ref[...] = a0
    m1_ref[...] = jnp.max(a0, axis=1)
    iota = jax.lax.broadcasted_iota(jnp.int32, (RB, NC, NL), 1) * NL + \
        jax.lax.broadcasted_iota(jnp.int32, (RB, NC, NL), 2)
    kiota = jax.lax.broadcasted_iota(jnp.int32, (RB, K), 1)
    vals_ref[...] = jnp.zeros((RB, K), jnp.float32)
    idx_ref[...] = jnp.zeros((RB, K), jnp.int32)

    def _round(k, _):
        a = a_ref[...]
        m = jnp.max(m1_ref[...], axis=1)
        eq = a >= m[:, None, None]
        am = jnp.min(jnp.where(eq, iota, N_PAD), axis=(1, 2))
        vals_ref[...] = jnp.where(kiota == k, m[:, None], vals_ref[...])
        idx_ref[...] = jnp.where(kiota == k, am[:, None], idx_ref[...])
        a2 = jnp.where(eq, NEG, a)
        a_ref[...] = a2
        m1_ref[...] = jnp.max(a2, axis=1)
        return 0

    jax.lax.fori_loop(0, K, _round, 0)


def _norm_body(x_ref, xn_ref):
    x = x_ref[...]
    nrm = jnp.sqrt(jnp.sum(x * x, axis=1, keepdims=True))
    xn_ref[...] = x / jnp.maximum(nrm, 1e-12)


def _knn_topk(x):
    xn = pl.pallas_call(
        _norm_body,
        out_shape=jax.ShapeDtypeStruct((N, D), jnp.float32),
        grid=(5,),
        in_specs=[pl.BlockSpec((N // 5, D), lambda i: (i, 0))],
        out_specs=pl.BlockSpec((N // 5, D), lambda i: (i, 0)),
    )(x)
    vals, idx = pl.pallas_call(
        _topk_body,
        out_shape=(jax.ShapeDtypeStruct((N, K), jnp.float32),
                   jax.ShapeDtypeStruct((N, K), jnp.int32)),
        grid=(N // RB,),
        in_specs=[pl.BlockSpec((RB, D), lambda i: (i, 0)),
                  pl.BlockSpec((N, D), lambda i: (0, 0))],
        out_specs=(pl.BlockSpec((RB, K), lambda i: (i, 0)),
                   pl.BlockSpec((RB, K), lambda i: (i, 0))),
        scratch_shapes=[pltpu.VMEM((RB, NC, NL), jnp.float32),
                        pltpu.VMEM((RB, NL), jnp.float32)],
    )(xn, xn)
    return vals, idx



def _mmT_body(w_ref, xT_ref, o_ref):
    o_ref[...] = jax.lax.dot_general(
        w_ref[...], xT_ref[...], (((0,), (0,)), ((), ())),
        preferred_element_type=jnp.float32)


def _mmT(xT, W):
    return pl.pallas_call(
        _mmT_body,
        out_shape=jax.ShapeDtypeStruct((D, N_PAD), jnp.float32),
        grid=(8,),
        in_specs=[pl.BlockSpec((D, D), lambda i: (0, 0)),
                  pl.BlockSpec((D, N_PAD // 8), lambda i: (0, i))],
        out_specs=pl.BlockSpec((D, N_PAD // 8), lambda i: (0, i)),
    )(W, xT)


def _dinv_body(p_ref, o_ref):
    deg = jnp.sum(p_ref[...], axis=0, keepdims=True)
    o_ref[...] = jnp.where(deg > 0, jax.lax.rsqrt(deg), 0.0)


def _dinv(partials):
    return pl.pallas_call(
        _dinv_body,
        out_shape=jax.ShapeDtypeStruct((1, N_PAD), jnp.float32),
        grid=(1,),
        in_specs=[pl.BlockSpec((TILES, N_PAD), lambda i: (0, 0))],
        out_specs=pl.BlockSpec((1, N_PAD), lambda i: (0, 0)),
    )(partials)


def _scale_body(v_ref, d_ref, o_ref):
    o_ref[...] = v_ref[...] * d_ref[...]


def _scale(vals, dinv_col):
    return pl.pallas_call(
        _scale_body,
        out_shape=jax.ShapeDtypeStruct((N, K), jnp.float32),
        grid=(5,),
        in_specs=[pl.BlockSpec((N // 5, K), lambda i: (i, 0)),
                  pl.BlockSpec((N // 5, 1), lambda i: (i, 0))],
        out_specs=pl.BlockSpec((N // 5, K), lambda i: (i, 0)),
    )(vals, dinv_col)


def _h2T_body(p_ref, di_ref, b_ref, w_ref, o_ref):
    hT = jnp.maximum(p_ref[...] * di_ref[...] + b_ref[...], 0.0)
    o_ref[...] = jax.lax.dot_general(
        w_ref[...], hT, (((0,), (0,)), ((), ())),
        preferred_element_type=jnp.float32)


def _h2T(o1T, dinv_row, b1_col, W2):
    return pl.pallas_call(
        _h2T_body,
        out_shape=jax.ShapeDtypeStruct((D, N_PAD), jnp.float32),
        grid=(8,),
        in_specs=[pl.BlockSpec((D, N_PAD // 8), lambda i: (0, i)),
                  pl.BlockSpec((1, N_PAD // 8), lambda i: (0, i)),
                  pl.BlockSpec((D, 1), lambda i: (0, 0)),
                  pl.BlockSpec((D, D), lambda i: (0, 0))],
        out_specs=pl.BlockSpec((D, N_PAD // 8), lambda i: (0, i)),
    )(o1T, dinv_row, b1_col, W2)


def _finT_body(p_ref, di_ref, b_ref, o_ref):
    o_ref[...] = jnp.transpose(
        p_ref[...] * di_ref[...] + b_ref[...], (1, 0))


def _finT(o2T, dinv_row, b2_col):
    return pl.pallas_call(
        _finT_body,
        out_shape=jax.ShapeDtypeStruct((N_PAD, D), jnp.float32),
        grid=(8,),
        in_specs=[pl.BlockSpec((D, N_PAD // 8), lambda i: (0, i)),
                  pl.BlockSpec((1, N_PAD // 8), lambda i: (0, i)),
                  pl.BlockSpec((D, 1), lambda i: (0, 0))],
        out_specs=pl.BlockSpec((N_PAD // 8, D), lambda i: (i, 0)),
    )(o2T, dinv_row, b2_col)



def _sc_mesh():
    return plsc.VectorSubcoreMesh(core_axis_name="c", subcore_axis_name="s")


def _sc_deg(idx_s, ew_s):
    @functools.partial(
        pl.kernel,
        mesh=_sc_mesh(),
        out_type=jax.ShapeDtypeStruct((TILES, N_PAD), jnp.float32),
        compiler_params=pltpu.CompilerParams(needs_layout_passes=False),
        scratch_types=[
            pltpu.VMEM((SRWS, SLOTS), jnp.int32),
            pltpu.VMEM((SRWS, SLOTS), jnp.float32),
            pltpu.VMEM((N_PAD,), jnp.float32),
        ],
    )
    def k(idx_hbm, ew_hbm, out_hbm, idx_v, ew_v, deg_v):
        w = lax.axis_index("s") * 2 + lax.axis_index("c")
        zero = jnp.zeros((16,), jnp.float32)

        def zloop(i, _):
            deg_v[pl.ds(i * 16, 16)] = zero
            return 0
        lax.fori_loop(0, N_PAD // 16, zloop, 0)

        for t in range(SGS // TILES):
            sg = w * (SGS // TILES) + t
            pltpu.sync_copy(idx_hbm.at[sg], idx_v)
            pltpu.sync_copy(ew_hbm.at[sg], ew_v)

            def row_loop(r, _):
                for half in range(SLOTS // 16):
                    dstv = idx_v[r, pl.ds(half * 16, 16)]
                    ewv = ew_v[r, pl.ds(half * 16, 16)]
                    plsc.addupdate_scatter(deg_v, [dstv], ewv,
                                           mask=dstv != DUMMY)
                return 0
            lax.fori_loop(0, SRWS, row_loop, 0)
        pltpu.sync_copy(deg_v, out_hbm.at[w])

    return k(idx_s, ew_s)


def _sc_conv(hwT, idx_s, ew_s):
    @functools.partial(
        pl.kernel,
        mesh=_sc_mesh(),
        out_type=jax.ShapeDtypeStruct((D, N_PAD), jnp.float32),
        compiler_params=pltpu.CompilerParams(needs_layout_passes=False),
        scratch_types=[
            pltpu.VMEM((FPT, N_PAD), jnp.float32),
            pltpu.VMEM((FPT, N_PAD), jnp.float32),
            pltpu.VMEM((SRWS, SLOTS), jnp.int32),
            pltpu.VMEM((SRWS, SLOTS), jnp.float32),
        ],
    )
    def k(hw_hbm, idx_hbm, ew_hbm, out_hbm, hw_v, acc_v, idx_v, ew_v):
        c = lax.axis_index("c")
        s = lax.axis_index("s")
        w = s * 2 + c
        pltpu.sync_copy(hw_hbm.at[pl.ds(w * FPT, FPT)], hw_v)
        zero = jnp.zeros((16,), jnp.float32)
        for f in range(FPT):
            def zloop(i, _, f=f):
                acc_v[f, pl.ds(i * 16, 16)] = zero
                return 0
            lax.fori_loop(0, N_PAD // 16, zloop, 0)

        def stage_loop(sg, _):
            pltpu.sync_copy(idx_hbm.at[sg], idx_v)
            pltpu.sync_copy(ew_hbm.at[sg], ew_v)

            def row_loop(r, _):
                grow = sg * SRWS + r
                gix = jnp.full((16,), grow, jnp.int32)
                hsp = [plsc.load_gather(
                    hw_v, [jnp.full((16,), f, jnp.int32), gix])
                    for f in range(FPT)]
                for half in range(SLOTS // 16):
                    dstv = idx_v[r, pl.ds(half * 16, 16)]
                    ewv = ew_v[r, pl.ds(half * 16, 16)]
                    m = dstv != DUMMY
                    for f in range(FPT):
                        plsc.addupdate_scatter(
                            acc_v,
                            [jnp.full((16,), f, jnp.int32), dstv],
                            ewv * hsp[f], mask=m)
                return 0
            lax.fori_loop(0, SRWS, row_loop, 0)
            return 0
        lax.fori_loop(0, SGS, stage_loop, 0)
        pltpu.sync_copy(acc_v, out_hbm.at[pl.ds(w * FPT, FPT)])

    return k(hwT, idx_s, ew_s)



def kernel(x, W1, b1, W2, b2):
    vals, idx = _knn_topk(x)
    idxp = jnp.pad(idx, ((0, N_PAD - N), (0, SLOTS - K)),
                   constant_values=DUMMY)
    xT_pad = jnp.pad(x, ((0, N_PAD - N), (0, 0))).T
    idx_s = idxp.reshape(SGS, SRWS, SLOTS)

    hw1T = _mmT(xT_pad, W1)
    ewp0 = jnp.pad(vals, ((0, N_PAD - N), (0, SLOTS - K)))
    degp = _sc_deg(idx_s, ewp0.reshape(SGS, SRWS, SLOTS))
    dinv = _dinv(degp)
    ew2 = _scale(vals, dinv.reshape(N_PAD)[:N].reshape(N, 1))
    ew_s = jnp.pad(ew2, ((0, N_PAD - N), (0, SLOTS - K))
                   ).reshape(SGS, SRWS, SLOTS)

    o1T = _sc_conv(hw1T, idx_s, ew_s)
    hw2T = _h2T(o1T, dinv, b1.reshape(D, 1), W2)
    o2T = _sc_conv(hw2T, idx_s, ew_s)
    return _finT(o2T, dinv, b2.reshape(D, 1))[:N]

# --- scband reference (transcript-rebuilt; emitter-appended) ---
"""Pipeline reference for scband-gcn-32160715112881 (READ-ONLY COPY).

The authoritative reference and input builder live on the scoring server;
editing this copy changes nothing except your own understanding.
"""

import jax, jax.numpy as jnp
import numpy as np

N = 10000
DIM_IN = 128
DIM_HIDDEN = 128
DIM_OUT = 128
K = 20


def setup_inputs(seed: int = 0) -> dict:
    key = jax.random.key(seed)
    k1, k2, k3, k4, k5 = jax.random.split(key, 5)
    x = jax.random.normal(k1, (N, DIM_IN), dtype=jnp.float32)
    W1 = jax.random.normal(k2, (DIM_IN, DIM_HIDDEN), dtype=jnp.float32) * (1.0 / np.sqrt(DIM_IN))
    b1 = jax.random.normal(k3, (DIM_HIDDEN,), dtype=jnp.float32) * 0.01
    W2 = jax.random.normal(k4, (DIM_HIDDEN, DIM_OUT), dtype=jnp.float32) * (1.0 / np.sqrt(DIM_HIDDEN))
    b2 = jax.random.normal(k5, (DIM_OUT,), dtype=jnp.float32) * 0.01
    return {"x": x, "W1": W1, "b1": b1, "W2": W2, "b2": b2}


def _gcn_conv(h, W, b, src, dst, ew, n):
    # PyG GCNConv with edge_weight: symmetric normalization, messages src -> dst.
    hw = h @ W
    deg = jax.ops.segment_sum(ew, dst, num_segments=n)
    dinv = jnp.where(deg > 0, jax.lax.rsqrt(deg), 0.0)
    nrm = dinv[src] * ew * dinv[dst]
    msg = nrm[:, None] * hw[src]
    out = jax.ops.segment_sum(msg, dst, num_segments=n)
    return out + b


def reference(x, W1, b1, W2, b2):
    # Adj(x, Type='N'): cosine similarity (F.normalize with eps=1e-12)
    xn = x / jnp.maximum(jnp.linalg.norm(x, axis=-1, keepdims=True), 1e-12)
    adj = xn @ xn.T
    # KNN(adj, 20): keep top-K largest entries per row (argsort ascending, last K cols)
    vals, idx = jax.lax.top_k(adj, K)  # [N, K]
    # dense_to_sparse: edge_index[0]=row (src), edge_index[1]=col (dst), weight=adj[row,col].
    # Self-loops are already present (diag cosine sim == 1 is the per-row max), so
    # gcn_norm's add_remaining_self_loops adds nothing.
    src = jnp.repeat(jnp.arange(N), K)
    dst = idx.reshape(-1)
    ew = vals.reshape(-1)
    # dropout is identity at inference; bn1 is defined but never used in forward.
    h = _gcn_conv(x, W1, b1, src, dst, ew, N)
    h = jax.nn.relu(h)
    out = _gcn_conv(h, W2, b2, src, dst, ew, N)
    return out

if __name__ == "__main__":
    import jax
    _d = setup_inputs()
    print(jax.jit(kernel)(*tuple(_d.values())))

</pallas_src>

<mosaic_0001>
#map = affine_map<(d0, d1) -> (0, 0, 0)>
#map1 = affine_map<(d0, d1) -> (0, 0)>
module attributes {stable_mosaic.version = 14 : i64} {
  func.func @k(%arg0: i32, %arg1: i32, %arg2: memref<64x160x32xi32, #tpu.memory_space<hbm>>, %arg3: memref<64x160x32xf32, #tpu.memory_space<hbm>>, %arg4: memref<32x10240xf32, #tpu.memory_space<hbm>>, %arg5: memref<160x32xi32, #tpu.memory_space<vmem>>, %arg6: memref<160x32xf32, #tpu.memory_space<vmem>>, %arg7: memref<10240xf32, #tpu.memory_space<vmem>>) attributes {dimension_semantics = [#tpu.dimension_semantics<core_parallel>, #tpu.dimension_semantics<subcore_parallel>], iteration_bounds = array<i64: 2, 16>, scalar_prefetch = 0 : i64, scratch_operands = 3 : i64, tpu.core_type = #tpu.core_type<sc_vector_subcore>, window_params = [{transform_indices = #map}, {transform_indices = #map}, {transform_indices = #map1}]} {
    %mul3A = arith.constant 2 : i32
    %mul3A_0 = arith.muli %arg1, %mul3A : i32
    %add3A = arith.addi %mul3A_0, %arg0 : i32
    %broadcast_in_dim3A = arith.constant 0.000000e+00 : f32
    %broadcast_in_dim3A_1 = vector.broadcast %broadcast_in_dim3A : f32 to vector<16xf32>
    %scan3A = arith.constant 0 : i32
    %scan3A_2 = arith.constant 0 : i32
    %scan3A_3 = arith.constant 640 : i32
    %scan3A_4 = arith.addi %scan3A_2, %scan3A_3 : i32
    %scan3A_5 = arith.constant 1 : i32
    %scan3A_6 = scf.for %scan3A_30 = %scan3A_2 to %scan3A_4 step %scan3A_5 iter_args(%scan3A_31 = %scan3A) -> (i32)  : i32 {
      %mul3A_32 = arith.constant 16 : i32
      %mul3A_33 = arith.muli %scan3A_30, %mul3A_32 : i32
      %swap3A = arith.index_cast %mul3A_33 : i32 to index
      %swap3A_34 = tpu.vector_load %arg7[%swap3A] {strides = array<i32>} : memref<10240xf32, #tpu.memory_space<vmem>>, vector<16xf32>,
      tpu.vector_store %arg7[%swap3A], %broadcast_in_dim3A_1 {strides = array<i32>} : memref<10240xf32, #tpu.memory_space<vmem>>, vector<16xf32>,
      %scan3A_35 = arith.constant 0 : i32
      scf.yield %scan3A_35 : i32
    }
    %scan3A_7 = arith.constant 640 : i32
    %mul3A_8 = arith.constant 2 : i32
    %mul3A_9 = arith.muli %add3A, %mul3A_8 : i32
    %add3A_10 = arith.constant 0 : i32
    %add3A_11 = arith.addi %mul3A_9, %add3A_10 : i32
    "tpu.region"() ({
      %run_scoped3A = tpu.sem_alloc : memref<!tpu.dma_semaphore, #tpu.memory_space<semaphore_mem>>
      %dma_start3A = arith.constant 0 : i32
      %dma_start3A_30 = arith.constant 0 : i32
      %dma_start3A_31 = tpu.memref_slice %arg2[%add3A_11, %dma_start3A, %dma_start3A_30] : memref<64x160x32xi32, #tpu.memory_space<hbm>> -> memref<1x160x32xi32, #tpu.memory_space<hbm>>
      %dma_start3A_32 = tpu.memref_squeeze %dma_start3A_31 : memref<1x160x32xi32, #tpu.memory_space<hbm>> -> memref<160x32xi32, #tpu.memory_space<hbm>>
      %dma_start3A_33 = arith.constant 0 : i32
      %dma_start3A_34 = arith.constant 0 : i32
      %dma_start3A_35 = tpu.memref_slice %arg2[%add3A_11, %dma_start3A_33, %dma_start3A_34] : memref<64x160x32xi32, #tpu.memory_space<hbm>> -> memref<1x160x32xi32, #tpu.memory_space<hbm>>
      %dma_start3A_36 = tpu.memref_squeeze %dma_start3A_35 : memref<1x160x32xi32, #tpu.memory_space<hbm>> -> memref<160x32xi32, #tpu.memory_space<hbm>>
      tpu.enqueue_dma source(%dma_start3A_36 : memref<160x32xi32, #tpu.memory_space<hbm>>) target(%arg5 : memref<160x32xi32, #tpu.memory_space<vmem>>) target_semaphore(%run_scoped3A : memref<!tpu.dma_semaphore, #tpu.memory_space<semaphore_mem>>)
      %dma_wait3A = arith.constant 0 : i32
      %dma_wait3A_37 = arith.constant 0 : i32
      %dma_wait3A_38 = tpu.memref_slice %arg2[%add3A_11, %dma_wait3A, %dma_wait3A_37] : memref<64x160x32xi32, #tpu.memory_space<hbm>> -> memref<1x160x32xi32, #tpu.memory_space<hbm>>
      %dma_wait3A_39 = tpu.memref_squeeze %dma_wait3A_38 : memref<1x160x32xi32, #tpu.memory_space<hbm>> -> memref<160x32xi32, #tpu.memory_space<hbm>>
      %dma_wait3A_40 = arith.constant 0 : i32
      %dma_wait3A_41 = arith.constant 0 : i32
      %dma_wait3A_42 = tpu.memref_slice %arg2[%add3A_11, %dma_wait3A_40, %dma_wait3A_41] : memref<64x160x32xi32, #tpu.memory_space<hbm>> -> memref<1x160x32xi32, #tpu.memory_space<hbm>>
      %dma_wait3A_43 = tpu.memref_squeeze %dma_wait3A_42 : memref<1x160x32xi32, #tpu.memory_space<hbm>> -> memref<160x32xi32, #tpu.memory_space<hbm>>
      tpu.wait_dma2 semaphore(%run_scoped3A : memref<!tpu.dma_semaphore, #tpu.memory_space<semaphore_mem>>) src(%dma_wait3A_43 : memref<160x32xi32, #tpu.memory_space<hbm>>) dst(%arg5 : memref<160x32xi32, #tpu.memory_space<vmem>>)
      tpu.yield
    }) : () -> ()
    "tpu.region"() ({
      %run_scoped3A = tpu.sem_alloc : memref<!tpu.dma_semaphore, #tpu.memory_space<semaphore_mem>>
      %dma_start3A = arith.constant 0 : i32
      %dma_start3A_30 = arith.constant 0 : i32
      %dma_start3A_31 = tpu.memref_slice %arg3[%add3A_11, %dma_start3A, %dma_start3A_30] : memref<64x160x32xf32, #tpu.memory_space<hbm>> -> memref<1x160x32xf32, #tpu.memory_space<hbm>>
      %dma_start3A_32 = tpu.memref_squeeze %dma_start3A_31 : memref<1x160x32xf32, #tpu.memory_space<hbm>> -> memref<160x32xf32, #tpu.memory_space<hbm>>
      %dma_start3A_33 = arith.constant 0 : i32
      %dma_start3A_34 = arith.constant 0 : i32
      %dma_start3A_35 = tpu.memref_slice %arg3[%add3A_11, %dma_start3A_33, %dma_start3A_34] : memref<64x160x32xf32, #tpu.memory_space<hbm>> -> memref<1x160x32xf32, #tpu.memory_space<hbm>>
      %dma_start3A_36 = tpu.memref_squeeze %dma_start3A_35 : memref<1x160x32xf32, #tpu.memory_space<hbm>> -> memref<160x32xf32, #tpu.memory_space<hbm>>
      tpu.enqueue_dma source(%dma_start3A_36 : memref<160x32xf32, #tpu.memory_space<hbm>>) target(%arg6 : memref<160x32xf32, #tpu.memory_space<vmem>>) target_semaphore(%run_scoped3A : memref<!tpu.dma_semaphore, #tpu.memory_space<semaphore_mem>>)
      %dma_wait3A = arith.constant 0 : i32
      %dma_wait3A_37 = arith.constant 0 : i32
      %dma_wait3A_38 = tpu.memref_slice %arg3[%add3A_11, %dma_wait3A, %dma_wait3A_37] : memref<64x160x32xf32, #tpu.memory_space<hbm>> -> memref<1x160x32xf32, #tpu.memory_space<hbm>>
      %dma_wait3A_39 = tpu.memref_squeeze %dma_wait3A_38 : memref<1x160x32xf32, #tpu.memory_space<hbm>> -> memref<160x32xf32, #tpu.memory_space<hbm>>
      %dma_wait3A_40 = arith.constant 0 : i32
      %dma_wait3A_41 = arith.constant 0 : i32
      %dma_wait3A_42 = tpu.memref_slice %arg3[%add3A_11, %dma_wait3A_40, %dma_wait3A_41] : memref<64x160x32xf32, #tpu.memory_space<hbm>> -> memref<1x160x32xf32, #tpu.memory_space<hbm>>
      %dma_wait3A_43 = tpu.memref_squeeze %dma_wait3A_42 : memref<1x160x32xf32, #tpu.memory_space<hbm>> -> memref<160x32xf32, #tpu.memory_space<hbm>>
      tpu.wait_dma2 semaphore(%run_scoped3A : memref<!tpu.dma_semaphore, #tpu.memory_space<semaphore_mem>>) src(%dma_wait3A_43 : memref<160x32xf32, #tpu.memory_space<hbm>>) dst(%arg6 : memref<160x32xf32, #tpu.memory_space<vmem>>)
      tpu.yield
    }) : () -> ()
    %scan3A_12 = arith.constant 0 : i32
    %scan3A_13 = arith.constant 0 : i32
    %scan3A_14 = arith.constant 160 : i32
    %scan3A_15 = arith.addi %scan3A_13, %scan3A_14 : i32
    %scan3A_16 = arith.constant 1 : i32
    %scan3A_17 = scf.for %scan3A_30 = %scan3A_13 to %scan3A_15 step %scan3A_16 iter_args(%scan3A_31 = %scan3A_12) -> (i32)  : i32 {
      %get3A = arith.index_cast %scan3A_30 : i32 to index
      %get3A_32 = arith.constant 0 : index
      %get3A_33 = tpu.vector_load %arg5[%get3A, %get3A_32] {strides = array<i32>} : memref<160x32xi32, #tpu.memory_space<vmem>>, vector<16xi32>,
      %get3A_34 = arith.index_cast %scan3A_30 : i32 to index
      %get3A_35 = arith.constant 0 : index
      %get3A_36 = tpu.vector_load %arg6[%get3A_34, %get3A_35] {strides = array<i32>} : memref<160x32xf32, #tpu.memory_space<vmem>>, vector<16xf32>,
      %ne3A = arith.constant 10000 : i32
      %ne3A_37 = vector.broadcast %ne3A : i32 to vector<16xi32>
      %ne3A_38 = arith.cmpi ne, %get3A_33, %ne3A_37 : vector<16xi32>
      tpu.vector_store_idx %arg7[%get3A_33], %get3A_36 masked %ne3A_38 {add = true} : memref<10240xf32, #tpu.memory_space<vmem>>[vector<16xi32>], vector<16xf32>, vector<16xi1>
      %get3A_39 = arith.index_cast %scan3A_30 : i32 to index
      %get3A_40 = arith.constant 16 : index
      %get3A_41 = tpu.vector_load %arg5[%get3A_39, %get3A_40] {strides = array<i32>} : memref<160x32xi32, #tpu.memory_space<vmem>>, vector<16xi32>,
      %get3A_42 = arith.index_cast %scan3A_30 : i32 to index
      %get3A_43 = arith.constant 16 : index
      %get3A_44 = tpu.vector_load %arg6[%get3A_42, %get3A_43] {strides = array<i32>} : memref<160x32xf32, #tpu.memory_space<vmem>>, vector<16xf32>,
      %ne3A_45 = arith.constant 10000 : i32
      %ne3A_46 = vector.broadcast %ne3A_45 : i32 to vector<16xi32>
      %ne3A_47 = arith.cmpi ne, %get3A_41, %ne3A_46 : vector<16xi32>
      tpu.vector_store_idx %arg7[%get3A_41], %get3A_44 masked %ne3A_47 {add = true} : memref<10240xf32, #tpu.memory_space<vmem>>[vector<16xi32>], vector<16xf32>, vector<16xi1>
      %scan3A_48 = arith.constant 0 : i32
      scf.yield %scan3A_48 : i32
    }
    %scan3A_18 = arith.constant 160 : i32
    %mul3A_19 = arith.constant 2 : i32
    %mul3A_20 = arith.muli %add3A, %mul3A_19 : i32
    %add3A_21 = arith.constant 1 : i32
    %add3A_22 = arith.addi %mul3A_20, %add3A_21 : i32
    "tpu.region"() ({
      %run_scoped3A = tpu.sem_alloc : memref<!tpu.dma_semaphore, #tpu.memory_space<semaphore_mem>>
      %dma_start3A = arith.constant 0 : i32
      %dma_start3A_30 = arith.constant 0 : i32
      %dma_start3A_31 = tpu.memref_slice %arg2[%add3A_22, %dma_start3A, %dma_start3A_30] : memref<64x160x32xi32, #tpu.memory_space<hbm>> -> memref<1x160x32xi32, #tpu.memory_space<hbm>>
      %dma_start3A_32 = tpu.memref_squeeze %dma_start3A_31 : memref<1x160x32xi32, #tpu.memory_space<hbm>> -> memref<160x32xi32, #tpu.memory_space<hbm>>
      %dma_start3A_33 = arith.constant 0 : i32
      %dma_start3A_34 = arith.constant 0 : i32
      %dma_start3A_35 = tpu.memref_slice %arg2[%add3A_22, %dma_start3A_33, %dma_start3A_34] : memref<64x160x32xi32, #tpu.memory_space<hbm>> -> memref<1x160x32xi32, #tpu.memory_space<hbm>>
      %dma_start3A_36 = tpu.memref_squeeze %dma_start3A_35 : memref<1x160x32xi32, #tpu.memory_space<hbm>> -> memref<160x32xi32, #tpu.memory_space<hbm>>
      tpu.enqueue_dma source(%dma_start3A_36 : memref<160x32xi32, #tpu.memory_space<hbm>>) target(%arg5 : memref<160x32xi32, #tpu.memory_space<vmem>>) target_semaphore(%run_scoped3A : memref<!tpu.dma_semaphore, #tpu.memory_space<semaphore_mem>>)
      %dma_wait3A = arith.constant 0 : i32
      %dma_wait3A_37 = arith.constant 0 : i32
      %dma_wait3A_38 = tpu.memref_slice %arg2[%add3A_22, %dma_wait3A, %dma_wait3A_37] : memref<64x160x32xi32, #tpu.memory_space<hbm>> -> memref<1x160x32xi32, #tpu.memory_space<hbm>>
      %dma_wait3A_39 = tpu.memref_squeeze %dma_wait3A_38 : memref<1x160x32xi32, #tpu.memory_space<hbm>> -> memref<160x32xi32, #tpu.memory_space<hbm>>
      %dma_wait3A_40 = arith.constant 0 : i32
      %dma_wait3A_41 = arith.constant 0 : i32
      %dma_wait3A_42 = tpu.memref_slice %arg2[%add3A_22, %dma_wait3A_40, %dma_wait3A_41] : memref<64x160x32xi32, #tpu.memory_space<hbm>> -> memref<1x160x32xi32, #tpu.memory_space<hbm>>
      %dma_wait3A_43 = tpu.memref_squeeze %dma_wait3A_42 : memref<1x160x32xi32, #tpu.memory_space<hbm>> -> memref<160x32xi32, #tpu.memory_space<hbm>>
      tpu.wait_dma2 semaphore(%run_scoped3A : memref<!tpu.dma_semaphore, #tpu.memory_space<semaphore_mem>>) src(%dma_wait3A_43 : memref<160x32xi32, #tpu.memory_space<hbm>>) dst(%arg5 : memref<160x32xi32, #tpu.memory_space<vmem>>)
      tpu.yield
    }) : () -> ()
    "tpu.region"() ({
      %run_scoped3A = tpu.sem_alloc : memref<!tpu.dma_semaphore, #tpu.memory_space<semaphore_mem>>
      %dma_start3A = arith.constant 0 : i32
      %dma_start3A_30 = arith.constant 0 : i32
      %dma_start3A_31 = tpu.memref_slice %arg3[%add3A_22, %dma_start3A, %dma_start3A_30] : memref<64x160x32xf32, #tpu.memory_space<hbm>> -> memref<1x160x32xf32, #tpu.memory_space<hbm>>
      %dma_start3A_32 = tpu.memref_squeeze %dma_start3A_31 : memref<1x160x32xf32, #tpu.memory_space<hbm>> -> memref<160x32xf32, #tpu.memory_space<hbm>>
      %dma_start3A_33 = arith.constant 0 : i32
      %dma_start3A_34 = arith.constant 0 : i32
      %dma_start3A_35 = tpu.memref_slice %arg3[%add3A_22, %dma_start3A_33, %dma_start3A_34] : memref<64x160x32xf32, #tpu.memory_space<hbm>> -> memref<1x160x32xf32, #tpu.memory_space<hbm>>
      %dma_start3A_36 = tpu.memref_squeeze %dma_start3A_35 : memref<1x160x32xf32, #tpu.memory_space<hbm>> -> memref<160x32xf32, #tpu.memory_space<hbm>>
      tpu.enqueue_dma source(%dma_start3A_36 : memref<160x32xf32, #tpu.memory_space<hbm>>) target(%arg6 : memref<160x32xf32, #tpu.memory_space<vmem>>) target_semaphore(%run_scoped3A : memref<!tpu.dma_semaphore, #tpu.memory_space<semaphore_mem>>)
      %dma_wait3A = arith.constant 0 : i32
      %dma_wait3A_37 = arith.constant 0 : i32
      %dma_wait3A_38 = tpu.memref_slice %arg3[%add3A_22, %dma_wait3A, %dma_wait3A_37] : memref<64x160x32xf32, #tpu.memory_space<hbm>> -> memref<1x160x32xf32, #tpu.memory_space<hbm>>
      %dma_wait3A_39 = tpu.memref_squeeze %dma_wait3A_38 : memref<1x160x32xf32, #tpu.memory_space<hbm>> -> memref<160x32xf32, #tpu.memory_space<hbm>>
      %dma_wait3A_40 = arith.constant 0 : i32
      %dma_wait3A_41 = arith.constant 0 : i32
      %dma_wait3A_42 = tpu.memref_slice %arg3[%add3A_22, %dma_wait3A_40, %dma_wait3A_41] : memref<64x160x32xf32, #tpu.memory_space<hbm>> -> memref<1x160x32xf32, #tpu.memory_space<hbm>>
      %dma_wait3A_43 = tpu.memref_squeeze %dma_wait3A_42 : memref<1x160x32xf32, #tpu.memory_space<hbm>> -> memref<160x32xf32, #tpu.memory_space<hbm>>
      tpu.wait_dma2 semaphore(%run_scoped3A : memref<!tpu.dma_semaphore, #tpu.memory_space<semaphore_mem>>) src(%dma_wait3A_43 : memref<160x32xf32, #tpu.memory_space<hbm>>) dst(%arg6 : memref<160x32xf32, #tpu.memory_space<vmem>>)
      tpu.yield
    }) : () -> ()
    %scan3A_23 = arith.constant 0 : i32
    %scan3A_24 = arith.constant 0 : i32
    %scan3A_25 = arith.constant 160 : i32
    %scan3A_26 = arith.addi %scan3A_24, %scan3A_25 : i32
    %scan3A_27 = arith.constant 1 : i32
    %scan3A_28 = scf.for %scan3A_30 = %scan3A_24 to %scan3A_26 step %scan3A_27 iter_args(%scan3A_31 = %scan3A_23) -> (i32)  : i32 {
      %get3A = arith.index_cast %scan3A_30 : i32 to index
      %get3A_32 = arith.constant 0 : index
      %get3A_33 = tpu.vector_load %arg5[%get3A, %get3A_32] {strides = array<i32>} : memref<160x32xi32, #tpu.memory_space<vmem>>, vector<16xi32>,
      %get3A_34 = arith.index_cast %scan3A_30 : i32 to index
      %get3A_35 = arith.constant 0 : index
      %get3A_36 = tpu.vector_load %arg6[%get3A_34, %get3A_35] {strides = array<i32>} : memref<160x32xf32, #tpu.memory_space<vmem>>, vector<16xf32>,
      %ne3A = arith.constant 10000 : i32
      %ne3A_37 = vector.broadcast %ne3A : i32 to vector<16xi32>
      %ne3A_38 = arith.cmpi ne, %get3A_33, %ne3A_37 : vector<16xi32>
      tpu.vector_store_idx %arg7[%get3A_33], %get3A_36 masked %ne3A_38 {add = true} : memref<10240xf32, #tpu.memory_space<vmem>>[vector<16xi32>], vector<16xf32>, vector<16xi1>
      %get3A_39 = arith.index_cast %scan3A_30 : i32 to index
      %get3A_40 = arith.constant 16 : index
      %get3A_41 = tpu.vector_load %arg5[%get3A_39, %get3A_40] {strides = array<i32>} : memref<160x32xi32, #tpu.memory_space<vmem>>, vector<16xi32>,
      %get3A_42 = arith.index_cast %scan3A_30 : i32 to index
      %get3A_43 = arith.constant 16 : index
      %get3A_44 = tpu.vector_load %arg6[%get3A_42, %get3A_43] {strides = array<i32>} : memref<160x32xf32, #tpu.memory_space<vmem>>, vector<16xf32>,
      %ne3A_45 = arith.constant 10000 : i32
      %ne3A_46 = vector.broadcast %ne3A_45 : i32 to vector<16xi32>
      %ne3A_47 = arith.cmpi ne, %get3A_41, %ne3A_46 : vector<16xi32>
      tpu.vector_store_idx %arg7[%get3A_41], %get3A_44 masked %ne3A_47 {add = true} : memref<10240xf32, #tpu.memory_space<vmem>>[vector<16xi32>], vector<16xf32>, vector<16xi1>
      %scan3A_48 = arith.constant 0 : i32
      scf.yield %scan3A_48 : i32
    }
    %scan3A_29 = arith.constant 160 : i32
    "tpu.region"() ({
      %run_scoped3A = tpu.sem_alloc : memref<!tpu.dma_semaphore, #tpu.memory_space<semaphore_mem>>
      %dma_start3A = arith.constant 0 : i32
      %dma_start3A_30 = tpu.memref_slice %arg4[%add3A, %dma_start3A] : memref<32x10240xf32, #tpu.memory_space<hbm>> -> memref<1x10240xf32, #tpu.memory_space<hbm>>
      %dma_start3A_31 = tpu.memref_squeeze %dma_start3A_30 : memref<1x10240xf32, #tpu.memory_space<hbm>> -> memref<10240xf32, #tpu.memory_space<hbm>>
      %dma_start3A_32 = arith.constant 0 : i32
      %dma_start3A_33 = tpu.memref_slice %arg4[%add3A, %dma_start3A_32] : memref<32x10240xf32, #tpu.memory_space<hbm>> -> memref<1x10240xf32, #tpu.memory_space<hbm>>
      %dma_start3A_34 = tpu.memref_squeeze %dma_start3A_33 : memref<1x10240xf32, #tpu.memory_space<hbm>> -> memref<10240xf32, #tpu.memory_space<hbm>>
      tpu.enqueue_dma source(%arg7 : memref<10240xf32, #tpu.memory_space<vmem>>) target(%dma_start3A_34 : memref<10240xf32, #tpu.memory_space<hbm>>) target_semaphore(%run_scoped3A : memref<!tpu.dma_semaphore, #tpu.memory_space<semaphore_mem>>)
      %dma_wait3A = arith.constant 0 : i32
      %dma_wait3A_35 = tpu.memref_slice %arg4[%add3A, %dma_wait3A] : memref<32x10240xf32, #tpu.memory_space<hbm>> -> memref<1x10240xf32, #tpu.memory_space<hbm>>
      %dma_wait3A_36 = tpu.memref_squeeze %dma_wait3A_35 : memref<1x10240xf32, #tpu.memory_space<hbm>> -> memref<10240xf32, #tpu.memory_space<hbm>>
      %dma_wait3A_37 = arith.constant 0 : i32
      %dma_wait3A_38 = tpu.memref_slice %arg4[%add3A, %dma_wait3A_37] : memref<32x10240xf32, #tpu.memory_space<hbm>> -> memref<1x10240xf32, #tpu.memory_space<hbm>>
      %dma_wait3A_39 = tpu.memref_squeeze %dma_wait3A_38 : memref<1x10240xf32, #tpu.memory_space<hbm>> -> memref<10240xf32, #tpu.memory_space<hbm>>
      tpu.wait_dma2 semaphore(%run_scoped3A : memref<!tpu.dma_semaphore, #tpu.memory_space<semaphore_mem>>) src(%arg7 : memref<10240xf32, #tpu.memory_space<vmem>>) dst(%dma_wait3A_39 : memref<10240xf32, #tpu.memory_space<hbm>>)
      tpu.yield
    }) : () -> ()
    return
  }
}

#map = affine_map<(d0, d1) -> (0, 0)>
#map1 = affine_map<(d0, d1) -> (0, 0, 0)>
module attributes {stable_mosaic.version = 14 : i64} {
  func.func @k(%arg0: i32, %arg1: i32, %arg2: memref<128x10240xf32, #tpu.memory_space<hbm>>, %arg3: memref<64x160x32xi32, #tpu.memory_space<hbm>>, %arg4: memref<64x160x32xf32, #tpu.memory_space<hbm>>, %arg5: memref<128x10240xf32, #tpu.memory_space<hbm>>, %arg6: memref<4x10240xf32, #tpu.memory_space<vmem>>, %arg7: memref<4x10240xf32, #tpu.memory_space<vmem>>, %arg8: memref<160x32xi32, #tpu.memory_space<vmem>>, %arg9: memref<160x32xf32, #tpu.memory_space<vmem>>) attributes {dimension_semantics = [#tpu.dimension_semantics<core_parallel>, #tpu.dimension_semantics<subcore_parallel>], iteration_bounds = array<i64: 2, 16>, scalar_prefetch = 0 : i64, scratch_operands = 4 : i64, tpu.core_type = #tpu.core_type<sc_vector_subcore>, window_params = [{transform_indices = #map}, {transform_indices = #map1}, {transform_indices = #map1}, {transform_indices = #map}]} {
    %mul3A = arith.constant 2 : i32
    %mul3A_0 = arith.muli %arg1, %mul3A : i32
    %add3A = arith.addi %mul3A_0, %arg0 : i32
    %mul3A_1 = arith.constant 4 : i32
    %mul3A_2 = arith.muli %add3A, %mul3A_1 : i32
    "tpu.region"() ({
      %run_scoped3A = tpu.sem_alloc : memref<!tpu.dma_semaphore, #tpu.memory_space<semaphore_mem>>
      %dma_start3A = arith.constant 0 : i32
      %dma_start3A_40 = tpu.memref_slice %arg2[%mul3A_2, %dma_start3A] : memref<128x10240xf32, #tpu.memory_space<hbm>> -> memref<4x10240xf32, #tpu.memory_space<hbm>>
      %dma_start3A_41 = arith.constant 0 : i32
      %dma_start3A_42 = tpu.memref_slice %arg2[%mul3A_2, %dma_start3A_41] : memref<128x10240xf32, #tpu.memory_space<hbm>> -> memref<4x10240xf32, #tpu.memory_space<hbm>>
      tpu.enqueue_dma source(%dma_start3A_42 : memref<4x10240xf32, #tpu.memory_space<hbm>>) target(%arg6 : memref<4x10240xf32, #tpu.memory_space<vmem>>) target_semaphore(%run_scoped3A : memref<!tpu.dma_semaphore, #tpu.memory_space<semaphore_mem>>)
      %dma_wait3A = arith.constant 0 : i32
      %dma_wait3A_43 = tpu.memref_slice %arg2[%mul3A_2, %dma_wait3A] : memref<128x10240xf32, #tpu.memory_space<hbm>> -> memref<4x10240xf32, #tpu.memory_space<hbm>>
      %dma_wait3A_44 = arith.constant 0 : i32
      %dma_wait3A_45 = tpu.memref_slice %arg2[%mul3A_2, %dma_wait3A_44] : memref<128x10240xf32, #tpu.memory_space<hbm>> -> memref<4x10240xf32, #tpu.memory_space<hbm>>
      tpu.wait_dma2 semaphore(%run_scoped3A : memref<!tpu.dma_semaphore, #tpu.memory_space<semaphore_mem>>) src(%dma_wait3A_45 : memref<4x10240xf32, #tpu.memory_space<hbm>>) dst(%arg6 : memref<4x10240xf32, #tpu.memory_space<vmem>>)
      tpu.yield
    }) : () -> ()
    %broadcast_in_dim3A = arith.constant 0.000000e+00 : f32
    %broadcast_in_dim3A_3 = vector.broadcast %broadcast_in_dim3A : f32 to vector<16xf32>
    %scan3A = arith.constant 0 : i32
    %scan3A_4 = arith.constant 0 : i32
    %scan3A_5 = arith.constant 640 : i32
    %scan3A_6 = arith.addi %scan3A_4, %scan3A_5 : i32
    %scan3A_7 = arith.constant 1 : i32
    %scan3A_8 = scf.for %scan3A_40 = %scan3A_4 to %scan3A_6 step %scan3A_7 iter_args(%scan3A_41 = %scan3A) -> (i32)  : i32 {
      %mul3A_42 = arith.constant 16 : i32
      %mul3A_43 = arith.muli %scan3A_40, %mul3A_42 : i32
      %swap3A = arith.constant 0 : i32
      %swap3A_44 = arith.index_cast %swap3A : i32 to index
      %swap3A_45 = arith.index_cast %mul3A_43 : i32 to index
      %swap3A_46 = tpu.vector_load %arg7[%swap3A_44, %swap3A_45] {strides = array<i32>} : memref<4x10240xf32, #tpu.memory_space<vmem>>, vector<16xf32>,
      tpu.vector_store %arg7[%swap3A_44, %swap3A_45], %broadcast_in_dim3A_3 {strides = array<i32>} : memref<4x10240xf32, #tpu.memory_space<vmem>>, vector<16xf32>,
      %scan3A_47 = arith.constant 0 : i32
      scf.yield %scan3A_47 : i32
    }
    %scan3A_9 = arith.constant 640 : i32
    %scan3A_10 = arith.constant 0 : i32
    %scan3A_11 = arith.constant 0 : i32
    %scan3A_12 = arith.constant 640 : i32
    %scan3A_13 = arith.addi %scan3A_11, %scan3A_12 : i32
    %scan3A_14 = arith.constant 1 : i32
    %scan3A_15 = scf.for %scan3A_40 = %scan3A_11 to %scan3A_13 step %scan3A_14 iter_args(%scan3A_41 = %scan3A_10) -> (i32)  : i32 {
      %mul3A_42 = arith.constant 16 : i32
      %mul3A_43 = arith.muli %scan3A_40, %mul3A_42 : i32
      %swap3A = arith.constant 1 : i32
      %swap3A_44 = arith.index_cast %swap3A : i32 to index
      %swap3A_45 = arith.index_cast %mul3A_43 : i32 to index
      %swap3A_46 = tpu.vector_load %arg7[%swap3A_44, %swap3A_45] {strides = array<i32>} : memref<4x10240xf32, #tpu.memory_space<vmem>>, vector<16xf32>,
      tpu.vector_store %arg7[%swap3A_44, %swap3A_45], %broadcast_in_dim3A_3 {strides = array<i32>} : memref<4x10240xf32, #tpu.memory_space<vmem>>, vector<16xf32>,
      %scan3A_47 = arith.constant 0 : i32
      scf.yield %scan3A_47 : i32
    }
    %scan3A_16 = arith.constant 640 : i32
    %scan3A_17 = arith.constant 0 : i32
    %scan3A_18 = arith.constant 0 : i32
    %scan3A_19 = arith.constant 640 : i32
    %scan3A_20 = arith.addi %scan3A_18, %scan3A_19 : i32
    %scan3A_21 = arith.constant 1 : i32
    %scan3A_22 = scf.for %scan3A_40 = %scan3A_18 to %scan3A_20 step %scan3A_21 iter_args(%scan3A_41 = %scan3A_17) -> (i32)  : i32 {
      %mul3A_42 = arith.constant 16 : i32
      %mul3A_43 = arith.muli %scan3A_40, %mul3A_42 : i32
      %swap3A = arith.constant 2 : i32
      %swap3A_44 = arith.index_cast %swap3A : i32 to index
      %swap3A_45 = arith.index_cast %mul3A_43 : i32 to index
      %swap3A_46 = tpu.vector_load %arg7[%swap3A_44, %swap3A_45] {strides = array<i32>} : memref<4x10240xf32, #tpu.memory_space<vmem>>, vector<16xf32>,
      tpu.vector_store %arg7[%swap3A_44, %swap3A_45], %broadcast_in_dim3A_3 {strides = array<i32>} : memref<4x10240xf32, #tpu.memory_space<vmem>>, vector<16xf32>,
      %scan3A_47 = arith.constant 0 : i32
      scf.yield %scan3A_47 : i32
    }
    %scan3A_23 = arith.constant 640 : i32
    %scan3A_24 = arith.constant 0 : i32
    %scan3A_25 = arith.constant 0 : i32
    %scan3A_26 = arith.constant 640 : i32
    %scan3A_27 = arith.addi %scan3A_25, %scan3A_26 : i32
    %scan3A_28 = arith.constant 1 : i32
    %scan3A_29 = scf.for %scan3A_40 = %scan3A_25 to %scan3A_27 step %scan3A_28 iter_args(%scan3A_41 = %scan3A_24) -> (i32)  : i32 {
      %mul3A_42 = arith.constant 16 : i32
      %mul3A_43 = arith.muli %scan3A_40, %mul3A_42 : i32
      %swap3A = arith.constant 3 : i32
      %swap3A_44 = arith.index_cast %swap3A : i32 to index
      %swap3A_45 = arith.index_cast %mul3A_43 : i32 to index
      %swap3A_46 = tpu.vector_load %arg7[%swap3A_44, %swap3A_45] {strides = array<i32>} : memref<4x10240xf32, #tpu.memory_space<vmem>>, vector<16xf32>,
      tpu.vector_store %arg7[%swap3A_44, %swap3A_45], %broadcast_in_dim3A_3 {strides = array<i32>} : memref<4x10240xf32, #tpu.memory_space<vmem>>, vector<16xf32>,
      %scan3A_47 = arith.constant 0 : i32
      scf.yield %scan3A_47 : i32
    }
    %scan3A_30 = arith.constant 640 : i32
    %scan3A_31 = arith.constant 0 : i32
    %scan3A_32 = arith.constant 0 : i32
    %scan3A_33 = arith.constant 64 : i32
    %scan3A_34 = arith.addi %scan3A_32, %scan3A_33 : i32
    %scan3A_35 = arith.constant 1 : i32
    %scan3A_36 = scf.for %scan3A_40 = %scan3A_32 to %scan3A_34 step %scan3A_35 iter_args(%scan3A_41 = %scan3A_31) -> (i32)  : i32 {
      "tpu.region"() ({
        %run_scoped3A = tpu.sem_alloc : memref<!tpu.dma_semaphore, #tpu.memory_space<semaphore_mem>>
        %dma_start3A = arith.constant 0 : i32
        %dma_start3A_50 = arith.constant 0 : i32
        %dma_start3A_51 = tpu.memref_slice %arg3[%scan3A_40, %dma_start3A, %dma_start3A_50] : memref<64x160x32xi32, #tpu.memory_space<hbm>> -> memref<1x160x32xi32, #tpu.memory_space<hbm>>
        %dma_start3A_52 = tpu.memref_squeeze %dma_start3A_51 : memref<1x160x32xi32, #tpu.memory_space<hbm>> -> memref<160x32xi32, #tpu.memory_space<hbm>>
        %dma_start3A_53 = arith.constant 0 : i32
        %dma_start3A_54 = arith.constant 0 : i32
        %dma_start3A_55 = tpu.memref_slice %arg3[%scan3A_40, %dma_start3A_53, %dma_start3A_54] : memref<64x160x32xi32, #tpu.memory_space<hbm>> -> memref<1x160x32xi32, #tpu.memory_space<hbm>>
        %dma_start3A_56 = tpu.memref_squeeze %dma_start3A_55 : memref<1x160x32xi32, #tpu.memory_space<hbm>> -> memref<160x32xi32, #tpu.memory_space<hbm>>
        tpu.enqueue_dma source(%dma_start3A_56 : memref<160x32xi32, #tpu.memory_space<hbm>>) target(%arg8 : memref<160x32xi32, #tpu.memory_space<vmem>>) target_semaphore(%run_scoped3A : memref<!tpu.dma_semaphore, #tpu.memory_space<semaphore_mem>>)
        %dma_wait3A = arith.constant 0 : i32
        %dma_wait3A_57 = arith.constant 0 : i32
        %dma_wait3A_58 = tpu.memref_slice %arg3[%scan3A_40, %dma_wait3A, %dma_wait3A_57] : memref<64x160x32xi32, #tpu.memory_space<hbm>> -> memref<1x160x32xi32, #tpu.memory_space<hbm>>
        %dma_wait3A_59 = tpu.memref_squeeze %dma_wait3A_58 : memref<1x160x32xi32, #tpu.memory_space<hbm>> -> memref<160x32xi32, #tpu.memory_space<hbm>>
        %dma_wait3A_60 = arith.constant 0 : i32
        %dma_wait3A_61 = arith.constant 0 : i32
        %dma_wait3A_62 = tpu.memref_slice %arg3[%scan3A_40, %dma_wait3A_60, %dma_wait3A_61] : memref<64x160x32xi32, #tpu.memory_space<hbm>> -> memref<1x160x32xi32, #tpu.memory_space<hbm>>
        %dma_wait3A_63 = tpu.memref_squeeze %dma_wait3A_62 : memref<1x160x32xi32, #tpu.memory_space<hbm>> -> memref<160x32xi32, #tpu.memory_space<hbm>>
        tpu.wait_dma2 semaphore(%run_scoped3A : memref<!tpu.dma_semaphore, #tpu.memory_space<semaphore_mem>>) src(%dma_wait3A_63 : memref<160x32xi32, #tpu.memory_space<hbm>>) dst(%arg8 : memref<160x32xi32, #tpu.memory_space<vmem>>)
        tpu.yield
      }) : () -> ()
      "tpu.region"() ({
        %run_scoped3A = tpu.sem_alloc : memref<!tpu.dma_semaphore, #tpu.memory_space<semaphore_mem>>
        %dma_start3A = arith.constant 0 : i32
        %dma_start3A_50 = arith.constant 0 : i32
        %dma_start3A_51 = tpu.memref_slice %arg4[%scan3A_40, %dma_start3A, %dma_start3A_50] : memref<64x160x32xf32, #tpu.memory_space<hbm>> -> memref<1x160x32xf32, #tpu.memory_space<hbm>>
        %dma_start3A_52 = tpu.memref_squeeze %dma_start3A_51 : memref<1x160x32xf32, #tpu.memory_space<hbm>> -> memref<160x32xf32, #tpu.memory_space<hbm>>
        %dma_start3A_53 = arith.constant 0 : i32
        %dma_start3A_54 = arith.constant 0 : i32
        %dma_start3A_55 = tpu.memref_slice %arg4[%scan3A_40, %dma_start3A_53, %dma_start3A_54] : memref<64x160x32xf32, #tpu.memory_space<hbm>> -> memref<1x160x32xf32, #tpu.memory_space<hbm>>
        %dma_start3A_56 = tpu.memref_squeeze %dma_start3A_55 : memref<1x160x32xf32, #tpu.memory_space<hbm>> -> memref<160x32xf32, #tpu.memory_space<hbm>>
        tpu.enqueue_dma source(%dma_start3A_56 : memref<160x32xf32, #tpu.memory_space<hbm>>) target(%arg9 : memref<160x32xf32, #tpu.memory_space<vmem>>) target_semaphore(%run_scoped3A : memref<!tpu.dma_semaphore, #tpu.memory_space<semaphore_mem>>)
        %dma_wait3A = arith.constant 0 : i32
        %dma_wait3A_57 = arith.constant 0 : i32
        %dma_wait3A_58 = tpu.memref_slice %arg4[%scan3A_40, %dma_wait3A, %dma_wait3A_57] : memref<64x160x32xf32, #tpu.memory_space<hbm>> -> memref<1x160x32xf32, #tpu.memory_space<hbm>>
        %dma_wait3A_59 = tpu.memref_squeeze %dma_wait3A_58 : memref<1x160x32xf32, #tpu.memory_space<hbm>> -> memref<160x32xf32, #tpu.memory_space<hbm>>
        %dma_wait3A_60 = arith.constant 0 : i32
        %dma_wait3A_61 = arith.constant 0 : i32
        %dma_wait3A_62 = tpu.memref_slice %arg4[%scan3A_40, %dma_wait3A_60, %dma_wait3A_61] : memref<64x160x32xf32, #tpu.memory_space<hbm>> -> memref<1x160x32xf32, #tpu.memory_space<hbm>>
        %dma_wait3A_63 = tpu.memref_squeeze %dma_wait3A_62 : memref<1x160x32xf32, #tpu.memory_space<hbm>> -> memref<160x32xf32, #tpu.memory_space<hbm>>
        tpu.wait_dma2 semaphore(%run_scoped3A : memref<!tpu.dma_semaphore, #tpu.memory_space<semaphore_mem>>) src(%dma_wait3A_63 : memref<160x32xf32, #tpu.memory_space<hbm>>) dst(%arg9 : memref<160x32xf32, #tpu.memory_space<vmem>>)
        tpu.yield
      }) : () -> ()
      %scan3A_42 = arith.constant 0 : i32
      %scan3A_43 = arith.constant 0 : i32
      %scan3A_44 = arith.constant 160 : i32
      %scan3A_45 = arith.addi %scan3A_43, %scan3A_44 : i32
      %scan3A_46 = arith.constant 1 : i32
      %scan3A_47 = scf.for %scan3A_50 = %scan3A_43 to %scan3A_45 step %scan3A_46 iter_args(%scan3A_51 = %scan3A_42) -> (i32)  : i32 {
        %mul3A_52 = arith.constant 160 : i32
        %mul3A_53 = arith.muli %scan3A_40, %mul3A_52 : i32
        %add3A_54 = arith.addi %mul3A_53, %scan3A_50 : i32
        %broadcast_in_dim3A_55 = vector.broadcast %add3A_54 : i32 to vector<16xi32>
        %broadcast_in_dim3A_56 = arith.constant 0 : i32
        %broadcast_in_dim3A_57 = vector.broadcast %broadcast_in_dim3A_56 : i32 to vector<16xi32>
        %gather3A = tpu.vector_load_idx %arg6[%broadcast_in_dim3A_57, %broadcast_in_dim3A_55] : memref<4x10240xf32, #tpu.memory_space<vmem>>[vector<16xi32>, vector<16xi32>], vector<16xf32>,
        %broadcast_in_dim3A_58 = arith.constant 1 : i32
        %broadcast_in_dim3A_59 = vector.broadcast %broadcast_in_dim3A_58 : i32 to vector<16xi32>
        %gather3A_60 = tpu.vector_load_idx %arg6[%broadcast_in_dim3A_59, %broadcast_in_dim3A_55] : memref<4x10240xf32, #tpu.memory_space<vmem>>[vector<16xi32>, vector<16xi32>], vector<16xf32>,
        %broadcast_in_dim3A_61 = arith.constant 2 : i32
        %broadcast_in_dim3A_62 = vector.broadcast %broadcast_in_dim3A_61 : i32 to vector<16xi32>
        %gather3A_63 = tpu.vector_load_idx %arg6[%broadcast_in_dim3A_62, %broadcast_in_dim3A_55] : memref<4x10240xf32, #tpu.memory_space<vmem>>[vector<16xi32>, vector<16xi32>], vector<16xf32>,
        %broadcast_in_dim3A_64 = arith.constant 3 : i32
        %broadcast_in_dim3A_65 = vector.broadcast %broadcast_in_dim3A_64 : i32 to vector<16xi32>
        %gather3A_66 = tpu.vector_load_idx %arg6[%broadcast_in_dim3A_65, %broadcast_in_dim3A_55] : memref<4x10240xf32, #tpu.memory_space<vmem>>[vector<16xi32>, vector<16xi32>], vector<16xf32>,
        %get3A = arith.index_cast %scan3A_50 : i32 to index
        %get3A_67 = arith.constant 0 : index
        %get3A_68 = tpu.vector_load %arg8[%get3A, %get3A_67] {strides = array<i32>} : memref<160x32xi32, #tpu.memory_space<vmem>>, vector<16xi32>,
        %get3A_69 = arith.index_cast %scan3A_50 : i32 to index
        %get3A_70 = arith.constant 0 : index
        %get3A_71 = tpu.vector_load %arg9[%get3A_69, %get3A_70] {strides = array<i32>} : memref<160x32xf32, #tpu.memory_space<vmem>>, vector<16xf32>,
        %ne3A = arith.constant 10000 : i32
        %ne3A_72 = vector.broadcast %ne3A : i32 to vector<16xi32>
        %ne3A_73 = arith.cmpi ne, %get3A_68, %ne3A_72 : vector<16xi32>
        %broadcast_in_dim3A_74 = arith.constant 0 : i32
        %broadcast_in_dim3A_75 = vector.broadcast %broadcast_in_dim3A_74 : i32 to vector<16xi32>
        %mul3A_76 = arith.mulf %get3A_71, %gather3A : vector<16xf32>
        tpu.vector_store_idx %arg7[%broadcast_in_dim3A_75, %get3A_68], %mul3A_76 masked %ne3A_73 {add = true} : memref<4x10240xf32, #tpu.memory_space<vmem>>[vector<16xi32>, vector<16xi32>], vector<16xf32>, vector<16xi1>
        %broadcast_in_dim3A_77 = arith.constant 1 : i32
        %broadcast_in_dim3A_78 = vector.broadcast %broadcast_in_dim3A_77 : i32 to vector<16xi32>
        %mul3A_79 = arith.mulf %get3A_71, %gather3A_60 : vector<16xf32>
        tpu.vector_store_idx %arg7[%broadcast_in_dim3A_78, %get3A_68], %mul3A_79 masked %ne3A_73 {add = true} : memref<4x10240xf32, #tpu.memory_space<vmem>>[vector<16xi32>, vector<16xi32>], vector<16xf32>, vector<16xi1>
        %broadcast_in_dim3A_80 = arith.constant 2 : i32
        %broadcast_in_dim3A_81 = vector.broadcast %broadcast_in_dim3A_80 : i32 to vector<16xi32>
        %mul3A_82 = arith.mulf %get3A_71, %gather3A_63 : vector<16xf32>
        tpu.vector_store_idx %arg7[%broadcast_in_dim3A_81, %get3A_68], %mul3A_82 masked %ne3A_73 {add = true} : memref<4x10240xf32, #tpu.memory_space<vmem>>[vector<16xi32>, vector<16xi32>], vector<16xf32>, vector<16xi1>
        %broadcast_in_dim3A_83 = arith.constant 3 : i32
        %broadcast_in_dim3A_84 = vector.broadcast %broadcast_in_dim3A_83 : i32 to vector<16xi32>
        %mul3A_85 = arith.mulf %get3A_71, %gather3A_66 : vector<16xf32>
        tpu.vector_store_idx %arg7[%broadcast_in_dim3A_84, %get3A_68], %mul3A_85 masked %ne3A_73 {add = true} : memref<4x10240xf32, #tpu.memory_space<vmem>>[vector<16xi32>, vector<16xi32>], vector<16xf32>, vector<16xi1>
        %get3A_86 = arith.index_cast %scan3A_50 : i32 to index
        %get3A_87 = arith.constant 16 : index
        %get3A_88 = tpu.vector_load %arg8[%get3A_86, %get3A_87] {strides = array<i32>} : memref<160x32xi32, #tpu.memory_space<vmem>>, vector<16xi32>,
        %get3A_89 = arith.index_cast %scan3A_50 : i32 to index
        %get3A_90 = arith.constant 16 : index
        %get3A_91 = tpu.vector_load %arg9[%get3A_89, %get3A_90] {strides = array<i32>} : memref<160x32xf32, #tpu.memory_space<vmem>>, vector<16xf32>,
        %ne3A_92 = arith.constant 10000 : i32
        %ne3A_93 = vector.broadcast %ne3A_92 : i32 to vector<16xi32>
        %ne3A_94 = arith.cmpi ne, %get3A_88, %ne3A_93 : vector<16xi32>
        %broadcast_in_dim3A_95 = arith.constant 0 : i32
        %broadcast_in_dim3A_96 = vector.broadcast %broadcast_in_dim3A_95 : i32 to vector<16xi32>
        %mul3A_97 = arith.mulf %get3A_91, %gather3A : vector<16xf32>
        tpu.vector_store_idx %arg7[%broadcast_in_dim3A_96, %get3A_88], %mul3A_97 masked %ne3A_94 {add = true} : memref<4x10240xf32, #tpu.memory_space<vmem>>[vector<16xi32>, vector<16xi32>], vector<16xf32>, vector<16xi1>
        %broadcast_in_dim3A_98 = arith.constant 1 : i32
        %broadcast_in_dim3A_99 = vector.broadcast %broadcast_in_dim3A_98 : i32 to vector<16xi32>
        %mul3A_100 = arith.mulf %get3A_91, %gather3A_60 : vector<16xf32>
        tpu.vector_store_idx %arg7[%broadcast_in_dim3A_99, %get3A_88], %mul3A_100 masked %ne3A_94 {add = true} : memref<4x10240xf32, #tpu.memory_space<vmem>>[vector<16xi32>, vector<16xi32>], vector<16xf32>, vector<16xi1>
        %broadcast_in_dim3A_101 = arith.constant 2 : i32
        %broadcast_in_dim3A_102 = vector.broadcast %broadcast_in_dim3A_101 : i32 to vector<16xi32>
        %mul3A_103 = arith.mulf %get3A_91, %gather3A_63 : vector<16xf32>
        tpu.vector_store_idx %arg7[%broadcast_in_dim3A_102, %get3A_88], %mul3A_103 masked %ne3A_94 {add = true} : memref<4x10240xf32, #tpu.memory_space<vmem>>[vector<16xi32>, vector<16xi32>], vector<16xf32>, vector<16xi1>
        %broadcast_in_dim3A_104 = arith.constant 3 : i32
        %broadcast_in_dim3A_105 = vector.broadcast %broadcast_in_dim3A_104 : i32 to vector<16xi32>
        %mul3A_106 = arith.mulf %get3A_91, %gather3A_66 : vector<16xf32>
        tpu.vector_store_idx %arg7[%broadcast_in_dim3A_105, %get3A_88], %mul3A_106 masked %ne3A_94 {add = true} : memref<4x10240xf32, #tpu.memory_space<vmem>>[vector<16xi32>, vector<16xi32>], vector<16xf32>, vector<16xi1>
        %scan3A_107 = arith.constant 0 : i32
        scf.yield %scan3A_107 : i32
      }
      %scan3A_48 = arith.constant 160 : i32
      %scan3A_49 = arith.constant 0 : i32
      scf.yield %scan3A_49 : i32
    }
    %scan3A_37 = arith.constant 64 : i32
    %mul3A_38 = arith.constant 4 : i32
    %mul3A_39 = arith.muli %add3A, %mul3A_38 : i32
    "tpu.region"() ({
      %run_scoped3A = tpu.sem_alloc : memref<!tpu.dma_semaphore, #tpu.memory_space<semaphore_mem>>
      %dma_start3A = arith.constant 0 : i32
      %dma_start3A_40 = tpu.memref_slice %arg5[%mul3A_39, %dma_start3A] : memref<128x10240xf32, #tpu.memory_space<hbm>> -> memref<4x10240xf32, #tpu.memory_space<hbm>>
      %dma_start3A_41 = arith.constant 0 : i32
      %dma_start3A_42 = tpu.memref_slice %arg5[%mul3A_39, %dma_start3A_41] : memref<128x10240xf32, #tpu.memory_space<hbm>> -> memref<4x10240xf32, #tpu.memory_space<hbm>>
      tpu.enqueue_dma source(%arg7 : memref<4x10240xf32, #tpu.memory_space<vmem>>) target(%dma_start3A_42 : memref<4x10240xf32, #tpu.memory_space<hbm>>) target_semaphore(%run_scoped3A : memref<!tpu.dma_semaphore, #tpu.memory_space<semaphore_mem>>)
      %dma_wait3A = arith.constant 0 : i32
      %dma_wait3A_43 = tpu.memref_slice %arg5[%mul3A_39, %dma_wait3A] : memref<128x10240xf32, #tpu.memory_space<hbm>> -> memref<4x10240xf32, #tpu.memory_space<hbm>>
      %dma_wait3A_44 = arith.constant 0 : i32
      %dma_wait3A_45 = tpu.memref_slice %arg5[%mul3A_39, %dma_wait3A_44] : memref<128x10240xf32, #tpu.memory_space<hbm>> -> memref<4x10240xf32, #tpu.memory_space<hbm>>
      tpu.wait_dma2 semaphore(%run_scoped3A : memref<!tpu.dma_semaphore, #tpu.memory_space<semaphore_mem>>) src(%arg7 : memref<4x10240xf32, #tpu.memory_space<vmem>>) dst(%dma_wait3A_45 : memref<4x10240xf32, #tpu.memory_space<hbm>>)
      tpu.yield
    }) : () -> ()
    return
  }
}

#map = affine_map<(d0, d1) -> (0, 0)>
#map1 = affine_map<(d0, d1) -> (0, 0, 0)>
module attributes {stable_mosaic.version = 14 : i64} {
  func.func @k(%arg0: i32, %arg1: i32, %arg2: memref<128x10240xf32, #tpu.memory_space<hbm>>, %arg3: memref<64x160x32xi32, #tpu.memory_space<hbm>>, %arg4: memref<64x160x32xf32, #tpu.memory_space<hbm>>, %arg5: memref<128x10240xf32, #tpu.memory_space<hbm>>, %arg6: memref<4x10240xf32, #tpu.memory_space<vmem>>, %arg7: memref<4x10240xf32, #tpu.memory_space<vmem>>, %arg8: memref<160x32xi32, #tpu.memory_space<vmem>>, %arg9: memref<160x32xf32, #tpu.memory_space<vmem>>) attributes {dimension_semantics = [#tpu.dimension_semantics<core_parallel>, #tpu.dimension_semantics<subcore_parallel>], iteration_bounds = array<i64: 2, 16>, scalar_prefetch = 0 : i64, scratch_operands = 4 : i64, tpu.core_type = #tpu.core_type<sc_vector_subcore>, window_params = [{transform_indices = #map}, {transform_indices = #map1}, {transform_indices = #map1}, {transform_indices = #map}]} {
    %mul3A = arith.constant 2 : i32
    %mul3A_0 = arith.muli %arg1, %mul3A : i32
    %add3A = arith.addi %mul3A_0, %arg0 : i32
    %mul3A_1 = arith.constant 4 : i32
    %mul3A_2 = arith.muli %add3A, %mul3A_1 : i32
    "tpu.region"() ({
      %run_scoped3A = tpu.sem_alloc : memref<!tpu.dma_semaphore, #tpu.memory_space<semaphore_mem>>
      %dma_start3A = arith.constant 0 : i32
      %dma_start3A_40 = tpu.memref_slice %arg2[%mul3A_2, %dma_start3A] : memref<128x10240xf32, #tpu.memory_space<hbm>> -> memref<4x10240xf32, #tpu.memory_space<hbm>>
      %dma_start3A_41 = arith.constant 0 : i32
      %dma_start3A_42 = tpu.memref_slice %arg2[%mul3A_2, %dma_start3A_41] : memref<128x10240xf32, #tpu.memory_space<hbm>> -> memref<4x10240xf32, #tpu.memory_space<hbm>>
      tpu.enqueue_dma source(%dma_start3A_42 : memref<4x10240xf32, #tpu.memory_space<hbm>>) target(%arg6 : memref<4x10240xf32, #tpu.memory_space<vmem>>) target_semaphore(%run_scoped3A : memref<!tpu.dma_semaphore, #tpu.memory_space<semaphore_mem>>)
      %dma_wait3A = arith.constant 0 : i32
      %dma_wait3A_43 = tpu.memref_slice %arg2[%mul3A_2, %dma_wait3A] : memref<128x10240xf32, #tpu.memory_space<hbm>> -> memref<4x10240xf32, #tpu.memory_space<hbm>>
      %dma_wait3A_44 = arith.constant 0 : i32
      %dma_wait3A_45 = tpu.memref_slice %arg2[%mul3A_2, %dma_wait3A_44] : memref<128x10240xf32, #tpu.memory_space<hbm>> -> memref<4x10240xf32, #tpu.memory_space<hbm>>
      tpu.wait_dma2 semaphore(%run_scoped3A : memref<!tpu.dma_semaphore, #tpu.memory_space<semaphore_mem>>) src(%dma_wait3A_45 : memref<4x10240xf32, #tpu.memory_space<hbm>>) dst(%arg6 : memref<4x10240xf32, #tpu.memory_space<vmem>>)
      tpu.yield
    }) : () -> ()
    %broadcast_in_dim3A = arith.constant 0.000000e+00 : f32
    %broadcast_in_dim3A_3 = vector.broadcast %broadcast_in_dim3A : f32 to vector<16xf32>
    %scan3A = arith.constant 0 : i32
    %scan3A_4 = arith.constant 0 : i32
    %scan3A_5 = arith.constant 640 : i32
    %scan3A_6 = arith.addi %scan3A_4, %scan3A_5 : i32
    %scan3A_7 = arith.constant 1 : i32
    %scan3A_8 = scf.for %scan3A_40 = %scan3A_4 to %scan3A_6 step %scan3A_7 iter_args(%scan3A_41 = %scan3A) -> (i32)  : i32 {
      %mul3A_42 = arith.constant 16 : i32
      %mul3A_43 = arith.muli %scan3A_40, %mul3A_42 : i32
      %swap3A = arith.constant 0 : i32
      %swap3A_44 = arith.index_cast %swap3A : i32 to index
      %swap3A_45 = arith.index_cast %mul3A_43 : i32 to index
      %swap3A_46 = tpu.vector_load %arg7[%swap3A_44, %swap3A_45] {strides = array<i32>} : memref<4x10240xf32, #tpu.memory_space<vmem>>, vector<16xf32>,
      tpu.vector_store %arg7[%swap3A_44, %swap3A_45], %broadcast_in_dim3A_3 {strides = array<i32>} : memref<4x10240xf32, #tpu.memory_space<vmem>>, vector<16xf32>,
      %scan3A_47 = arith.constant 0 : i32
      scf.yield %scan3A_47 : i32
    }
    %scan3A_9 = arith.constant 640 : i32
    %scan3A_10 = arith.constant 0 : i32
    %scan3A_11 = arith.constant 0 : i32
    %scan3A_12 = arith.constant 640 : i32
    %scan3A_13 = arith.addi %scan3A_11, %scan3A_12 : i32
    %scan3A_14 = arith.constant 1 : i32
    %scan3A_15 = scf.for %scan3A_40 = %scan3A_11 to %scan3A_13 step %scan3A_14 iter_args(%scan3A_41 = %scan3A_10) -> (i32)  : i32 {
      %mul3A_42 = arith.constant 16 : i32
      %mul3A_43 = arith.muli %scan3A_40, %mul3A_42 : i32
      %swap3A = arith.constant 1 : i32
      %swap3A_44 = arith.index_cast %swap3A : i32 to index
      %swap3A_45 = arith.index_cast %mul3A_43 : i32 to index
      %swap3A_46 = tpu.vector_load %arg7[%swap3A_44, %swap3A_45] {strides = array<i32>} : memref<4x10240xf32, #tpu.memory_space<vmem>>, vector<16xf32>,
      tpu.vector_store %arg7[%swap3A_44, %swap3A_45], %broadcast_in_dim3A_3 {strides = array<i32>} : memref<4x10240xf32, #tpu.memory_space<vmem>>, vector<16xf32>,
      %scan3A_47 = arith.constant 0 : i32
      scf.yield %scan3A_47 : i32
    }
    %scan3A_16 = arith.constant 640 : i32
    %scan3A_17 = arith.constant 0 : i32
    %scan3A_18 = arith.constant 0 : i32
    %scan3A_19 = arith.constant 640 : i32
    %scan3A_20 = arith.addi %scan3A_18, %scan3A_19 : i32
    %scan3A_21 = arith.constant 1 : i32
    %scan3A_22 = scf.for %scan3A_40 = %scan3A_18 to %scan3A_20 step %scan3A_21 iter_args(%scan3A_41 = %scan3A_17) -> (i32)  : i32 {
      %mul3A_42 = arith.constant 16 : i32
      %mul3A_43 = arith.muli %scan3A_40, %mul3A_42 : i32
      %swap3A = arith.constant 2 : i32
      %swap3A_44 = arith.index_cast %swap3A : i32 to index
      %swap3A_45 = arith.index_cast %mul3A_43 : i32 to index
      %swap3A_46 = tpu.vector_load %arg7[%swap3A_44, %swap3A_45] {strides = array<i32>} : memref<4x10240xf32, #tpu.memory_space<vmem>>, vector<16xf32>,
      tpu.vector_store %arg7[%swap3A_44, %swap3A_45], %broadcast_in_dim3A_3 {strides = array<i32>} : memref<4x10240xf32, #tpu.memory_space<vmem>>, vector<16xf32>,
      %scan3A_47 = arith.constant 0 : i32
      scf.yield %scan3A_47 : i32
    }
    %scan3A_23 = arith.constant 640 : i32
    %scan3A_24 = arith.constant 0 : i32
    %scan3A_25 = arith.constant 0 : i32
    %scan3A_26 = arith.constant 640 : i32
    %scan3A_27 = arith.addi %scan3A_25, %scan3A_26 : i32
    %scan3A_28 = arith.constant 1 : i32
    %scan3A_29 = scf.for %scan3A_40 = %scan3A_25 to %scan3A_27 step %scan3A_28 iter_args(%scan3A_41 = %scan3A_24) -> (i32)  : i32 {
      %mul3A_42 = arith.constant 16 : i32
      %mul3A_43 = arith.muli %scan3A_40, %mul3A_42 : i32
      %swap3A = arith.constant 3 : i32
      %swap3A_44 = arith.index_cast %swap3A : i32 to index
      %swap3A_45 = arith.index_cast %mul3A_43 : i32 to index
      %swap3A_46 = tpu.vector_load %arg7[%swap3A_44, %swap3A_45] {strides = array<i32>} : memref<4x10240xf32, #tpu.memory_space<vmem>>, vector<16xf32>,
      tpu.vector_store %arg7[%swap3A_44, %swap3A_45], %broadcast_in_dim3A_3 {strides = array<i32>} : memref<4x10240xf32, #tpu.memory_space<vmem>>, vector<16xf32>,
      %scan3A_47 = arith.constant 0 : i32
      scf.yield %scan3A_47 : i32
    }
    %scan3A_30 = arith.constant 640 : i32
    %scan3A_31 = arith.constant 0 : i32
    %scan3A_32 = arith.constant 0 : i32
    %scan3A_33 = arith.constant 64 : i32
    %scan3A_34 = arith.addi %scan3A_32, %scan3A_33 : i32
    %scan3A_35 = arith.constant 1 : i32
    %scan3A_36 = scf.for %scan3A_40 = %scan3A_32 to %scan3A_34 step %scan3A_35 iter_args(%scan3A_41 = %scan3A_31) -> (i32)  : i32 {
      "tpu.region"() ({
        %run_scoped3A = tpu.sem_alloc : memref<!tpu.dma_semaphore, #tpu.memory_space<semaphore_mem>>
        %dma_start3A = arith.constant 0 : i32
        %dma_start3A_50 = arith.constant 0 : i32
        %dma_start3A_51 = tpu.memref_slice %arg3[%scan3A_40, %dma_start3A, %dma_start3A_50] : memref<64x160x32xi32, #tpu.memory_space<hbm>> -> memref<1x160x32xi32, #tpu.memory_space<hbm>>
        %dma_start3A_52 = tpu.memref_squeeze %dma_start3A_51 : memref<1x160x32xi32, #tpu.memory_space<hbm>> -> memref<160x32xi32, #tpu.memory_space<hbm>>
        %dma_start3A_53 = arith.constant 0 : i32
        %dma_start3A_54 = arith.constant 0 : i32
        %dma_start3A_55 = tpu.memref_slice %arg3[%scan3A_40, %dma_start3A_53, %dma_start3A_54] : memref<64x160x32xi32, #tpu.memory_space<hbm>> -> memref<1x160x32xi32, #tpu.memory_space<hbm>>
        %dma_start3A_56 = tpu.memref_squeeze %dma_start3A_55 : memref<1x160x32xi32, #tpu.memory_space<hbm>> -> memref<160x32xi32, #tpu.memory_space<hbm>>
        tpu.enqueue_dma source(%dma_start3A_56 : memref<160x32xi32, #tpu.memory_space<hbm>>) target(%arg8 : memref<160x32xi32, #tpu.memory_space<vmem>>) target_semaphore(%run_scoped3A : memref<!tpu.dma_semaphore, #tpu.memory_space<semaphore_mem>>)
        %dma_wait3A = arith.constant 0 : i32
        %dma_wait3A_57 = arith.constant 0 : i32
        %dma_wait3A_58 = tpu.memref_slice %arg3[%scan3A_40, %dma_wait3A, %dma_wait3A_57] : memref<64x160x32xi32, #tpu.memory_space<hbm>> -> memref<1x160x32xi32, #tpu.memory_space<hbm>>
        %dma_wait3A_59 = tpu.memref_squeeze %dma_wait3A_58 : memref<1x160x32xi32, #tpu.memory_space<hbm>> -> memref<160x32xi32, #tpu.memory_space<hbm>>
        %dma_wait3A_60 = arith.constant 0 : i32
        %dma_wait3A_61 = arith.constant 0 : i32
        %dma_wait3A_62 = tpu.memref_slice %arg3[%scan3A_40, %dma_wait3A_60, %dma_wait3A_61] : memref<64x160x32xi32, #tpu.memory_space<hbm>> -> memref<1x160x32xi32, #tpu.memory_space<hbm>>
        %dma_wait3A_63 = tpu.memref_squeeze %dma_wait3A_62 : memref<1x160x32xi32, #tpu.memory_space<hbm>> -> memref<160x32xi32, #tpu.memory_space<hbm>>
        tpu.wait_dma2 semaphore(%run_scoped3A : memref<!tpu.dma_semaphore, #tpu.memory_space<semaphore_mem>>) src(%dma_wait3A_63 : memref<160x32xi32, #tpu.memory_space<hbm>>) dst(%arg8 : memref<160x32xi32, #tpu.memory_space<vmem>>)
        tpu.yield
      }) : () -> ()
      "tpu.region"() ({
        %run_scoped3A = tpu.sem_alloc : memref<!tpu.dma_semaphore, #tpu.memory_space<semaphore_mem>>
        %dma_start3A = arith.constant 0 : i32
        %dma_start3A_50 = arith.constant 0 : i32
        %dma_start3A_51 = tpu.memref_slice %arg4[%scan3A_40, %dma_start3A, %dma_start3A_50] : memref<64x160x32xf32, #tpu.memory_space<hbm>> -> memref<1x160x32xf32, #tpu.memory_space<hbm>>
        %dma_start3A_52 = tpu.memref_squeeze %dma_start3A_51 : memref<1x160x32xf32, #tpu.memory_space<hbm>> -> memref<160x32xf32, #tpu.memory_space<hbm>>
        %dma_start3A_53 = arith.constant 0 : i32
        %dma_start3A_54 = arith.constant 0 : i32
        %dma_start3A_55 = tpu.memref_slice %arg4[%scan3A_40, %dma_start3A_53, %dma_start3A_54] : memref<64x160x32xf32, #tpu.memory_space<hbm>> -> memref<1x160x32xf32, #tpu.memory_space<hbm>>
        %dma_start3A_56 = tpu.memref_squeeze %dma_start3A_55 : memref<1x160x32xf32, #tpu.memory_space<hbm>> -> memref<160x32xf32, #tpu.memory_space<hbm>>
        tpu.enqueue_dma source(%dma_start3A_56 : memref<160x32xf32, #tpu.memory_space<hbm>>) target(%arg9 : memref<160x32xf32, #tpu.memory_space<vmem>>) target_semaphore(%run_scoped3A : memref<!tpu.dma_semaphore, #tpu.memory_space<semaphore_mem>>)
        %dma_wait3A = arith.constant 0 : i32
        %dma_wait3A_57 = arith.constant 0 : i32
        %dma_wait3A_58 = tpu.memref_slice %arg4[%scan3A_40, %dma_wait3A, %dma_wait3A_57] : memref<64x160x32xf32, #tpu.memory_space<hbm>> -> memref<1x160x32xf32, #tpu.memory_space<hbm>>
        %dma_wait3A_59 = tpu.memref_squeeze %dma_wait3A_58 : memref<1x160x32xf32, #tpu.memory_space<hbm>> -> memref<160x32xf32, #tpu.memory_space<hbm>>
        %dma_wait3A_60 = arith.constant 0 : i32
        %dma_wait3A_61 = arith.constant 0 : i32
        %dma_wait3A_62 = tpu.memref_slice %arg4[%scan3A_40, %dma_wait3A_60, %dma_wait3A_61] : memref<64x160x32xf32, #tpu.memory_space<hbm>> -> memref<1x160x32xf32, #tpu.memory_space<hbm>>
        %dma_wait3A_63 = tpu.memref_squeeze %dma_wait3A_62 : memref<1x160x32xf32, #tpu.memory_space<hbm>> -> memref<160x32xf32, #tpu.memory_space<hbm>>
        tpu.wait_dma2 semaphore(%run_scoped3A : memref<!tpu.dma_semaphore, #tpu.memory_space<semaphore_mem>>) src(%dma_wait3A_63 : memref<160x32xf32, #tpu.memory_space<hbm>>) dst(%arg9 : memref<160x32xf32, #tpu.memory_space<vmem>>)
        tpu.yield
      }) : () -> ()
      %scan3A_42 = arith.constant 0 : i32
      %scan3A_43 = arith.constant 0 : i32
      %scan3A_44 = arith.constant 160 : i32
      %scan3A_45 = arith.addi %scan3A_43, %scan3A_44 : i32
      %scan3A_46 = arith.constant 1 : i32
      %scan3A_47 = scf.for %scan3A_50 = %scan3A_43 to %scan3A_45 step %scan3A_46 iter_args(%scan3A_51 = %scan3A_42) -> (i32)  : i32 {
        %mul3A_52 = arith.constant 160 : i32
        %mul3A_53 = arith.muli %scan3A_40, %mul3A_52 : i32
        %add3A_54 = arith.addi %mul3A_53, %scan3A_50 : i32
        %broadcast_in_dim3A_55 = vector.broadcast %add3A_54 : i32 to vector<16xi32>
        %broadcast_in_dim3A_56 = arith.constant 0 : i32
        %broadcast_in_dim3A_57 = vector.broadcast %broadcast_in_dim3A_56 : i32 to vector<16xi32>
        %gather3A = tpu.vector_load_idx %arg6[%broadcast_in_dim3A_57, %broadcast_in_dim3A_55] : memref<4x10240xf32, #tpu.memory_space<vmem>>[vector<16xi32>, vector<16xi32>], vector<16xf32>,
        %broadcast_in_dim3A_58 = arith.constant 1 : i32
        %broadcast_in_dim3A_59 = vector.broadcast %broadcast_in_dim3A_58 : i32 to vector<16xi32>
        %gather3A_60 = tpu.vector_load_idx %arg6[%broadcast_in_dim3A_59, %broadcast_in_dim3A_55] : memref<4x10240xf32, #tpu.memory_space<vmem>>[vector<16xi32>, vector<16xi32>], vector<16xf32>,
        %broadcast_in_dim3A_61 = arith.constant 2 : i32
        %broadcast_in_dim3A_62 = vector.broadcast %broadcast_in_dim3A_61 : i32 to vector<16xi32>
        %gather3A_63 = tpu.vector_load_idx %arg6[%broadcast_in_dim3A_62, %broadcast_in_dim3A_55] : memref<4x10240xf32, #tpu.memory_space<vmem>>[vector<16xi32>, vector<16xi32>], vector<16xf32>,
        %broadcast_in_dim3A_64 = arith.constant 3 : i32
        %broadcast_in_dim3A_65 = vector.broadcast %broadcast_in_dim3A_64 : i32 to vector<16xi32>
        %gather3A_66 = tpu.vector_load_idx %arg6[%broadcast_in_dim3A_65, %broadcast_in_dim3A_55] : memref<4x10240xf32, #tpu.memory_space<vmem>>[vector<16xi32>, vector<16xi32>], vector<16xf32>,
        %get3A = arith.index_cast %scan3A_50 : i32 to index
        %get3A_67 = arith.constant 0 : index
        %get3A_68 = tpu.vector_load %arg8[%get3A, %get3A_67] {strides = array<i32>} : memref<160x32xi32, #tpu.memory_space<vmem>>, vector<16xi32>,
        %get3A_69 = arith.index_cast %scan3A_50 : i32 to index
        %get3A_70 = arith.constant 0 : index
        %get3A_71 = tpu.vector_load %arg9[%get3A_69, %get3A_70] {strides = array<i32>} : memref<160x32xf32, #tpu.memory_space<vmem>>, vector<16xf32>,
        %ne3A = arith.constant 10000 : i32
        %ne3A_72 = vector.broadcast %ne3A : i32 to vector<16xi32>
        %ne3A_73 = arith.cmpi ne, %get3A_68, %ne3A_72 : vector<16xi32>
        %broadcast_in_dim3A_74 = arith.constant 0 : i32
        %broadcast_in_dim3A_75 = vector.broadcast %broadcast_in_dim3A_74 : i32 to vector<16xi32>
        %mul3A_76 = arith.mulf %get3A_71, %gather3A : vector<16xf32>
        tpu.vector_store_idx %arg7[%broadcast_in_dim3A_75, %get3A_68], %mul3A_76 masked %ne3A_73 {add = true} : memref<4x10240xf32, #tpu.memory_space<vmem>>[vector<16xi32>, vector<16xi32>], vector<16xf32>, vector<16xi1>
        %broadcast_in_dim3A_77 = arith.constant 1 : i32
        %broadcast_in_dim3A_78 = vector.broadcast %broadcast_in_dim3A_77 : i32 to vector<16xi32>
        %mul3A_79 = arith.mulf %get3A_71, %gather3A_60 : vector<16xf32>
        tpu.vector_store_idx %arg7[%broadcast_in_dim3A_78, %get3A_68], %mul3A_79 masked %ne3A_73 {add = true} : memref<4x10240xf32, #tpu.memory_space<vmem>>[vector<16xi32>, vector<16xi32>], vector<16xf32>, vector<16xi1>
        %broadcast_in_dim3A_80 = arith.constant 2 : i32
        %broadcast_in_dim3A_81 = vector.broadcast %broadcast_in_dim3A_80 : i32 to vector<16xi32>
        %mul3A_82 = arith.mulf %get3A_71, %gather3A_63 : vector<16xf32>
        tpu.vector_store_idx %arg7[%broadcast_in_dim3A_81, %get3A_68], %mul3A_82 masked %ne3A_73 {add = true} : memref<4x10240xf32, #tpu.memory_space<vmem>>[vector<16xi32>, vector<16xi32>], vector<16xf32>, vector<16xi1>
        %broadcast_in_dim3A_83 = arith.constant 3 : i32
        %broadcast_in_dim3A_84 = vector.broadcast %broadcast_in_dim3A_83 : i32 to vector<16xi32>
        %mul3A_85 = arith.mulf %get3A_71, %gather3A_66 : vector<16xf32>
        tpu.vector_store_idx %arg7[%broadcast_in_dim3A_84, %get3A_68], %mul3A_85 masked %ne3A_73 {add = true} : memref<4x10240xf32, #tpu.memory_space<vmem>>[vector<16xi32>, vector<16xi32>], vector<16xf32>, vector<16xi1>
        %get3A_86 = arith.index_cast %scan3A_50 : i32 to index
        %get3A_87 = arith.constant 16 : index
        %get3A_88 = tpu.vector_load %arg8[%get3A_86, %get3A_87] {strides = array<i32>} : memref<160x32xi32, #tpu.memory_space<vmem>>, vector<16xi32>,
        %get3A_89 = arith.index_cast %scan3A_50 : i32 to index
        %get3A_90 = arith.constant 16 : index
        %get3A_91 = tpu.vector_load %arg9[%get3A_89, %get3A_90] {strides = array<i32>} : memref<160x32xf32, #tpu.memory_space<vmem>>, vector<16xf32>,
        %ne3A_92 = arith.constant 10000 : i32
        %ne3A_93 = vector.broadcast %ne3A_92 : i32 to vector<16xi32>
        %ne3A_94 = arith.cmpi ne, %get3A_88, %ne3A_93 : vector<16xi32>
        %broadcast_in_dim3A_95 = arith.constant 0 : i32
        %broadcast_in_dim3A_96 = vector.broadcast %broadcast_in_dim3A_95 : i32 to vector<16xi32>
        %mul3A_97 = arith.mulf %get3A_91, %gather3A : vector<16xf32>
        tpu.vector_store_idx %arg7[%broadcast_in_dim3A_96, %get3A_88], %mul3A_97 masked %ne3A_94 {add = true} : memref<4x10240xf32, #tpu.memory_space<vmem>>[vector<16xi32>, vector<16xi32>], vector<16xf32>, vector<16xi1>
        %broadcast_in_dim3A_98 = arith.constant 1 : i32
        %broadcast_in_dim3A_99 = vector.broadcast %broadcast_in_dim3A_98 : i32 to vector<16xi32>
        %mul3A_100 = arith.mulf %get3A_91, %gather3A_60 : vector<16xf32>
        tpu.vector_store_idx %arg7[%broadcast_in_dim3A_99, %get3A_88], %mul3A_100 masked %ne3A_94 {add = true} : memref<4x10240xf32, #tpu.memory_space<vmem>>[vector<16xi32>, vector<16xi32>], vector<16xf32>, vector<16xi1>
        %broadcast_in_dim3A_101 = arith.constant 2 : i32
        %broadcast_in_dim3A_102 = vector.broadcast %broadcast_in_dim3A_101 : i32 to vector<16xi32>
        %mul3A_103 = arith.mulf %get3A_91, %gather3A_63 : vector<16xf32>
        tpu.vector_store_idx %arg7[%broadcast_in_dim3A_102, %get3A_88], %mul3A_103 masked %ne3A_94 {add = true} : memref<4x10240xf32, #tpu.memory_space<vmem>>[vector<16xi32>, vector<16xi32>], vector<16xf32>, vector<16xi1>
        %broadcast_in_dim3A_104 = arith.constant 3 : i32
        %broadcast_in_dim3A_105 = vector.broadcast %broadcast_in_dim3A_104 : i32 to vector<16xi32>
        %mul3A_106 = arith.mulf %get3A_91, %gather3A_66 : vector<16xf32>
        tpu.vector_store_idx %arg7[%broadcast_in_dim3A_105, %get3A_88], %mul3A_106 masked %ne3A_94 {add = true} : memref<4x10240xf32, #tpu.memory_space<vmem>>[vector<16xi32>, vector<16xi32>], vector<16xf32>, vector<16xi1>
        %scan3A_107 = arith.constant 0 : i32
        scf.yield %scan3A_107 : i32
      }
      %scan3A_48 = arith.constant 160 : i32
      %scan3A_49 = arith.constant 0 : i32
      scf.yield %scan3A_49 : i32
    }
    %scan3A_37 = arith.constant 64 : i32
    %mul3A_38 = arith.constant 4 : i32
    %mul3A_39 = arith.muli %add3A, %mul3A_38 : i32
    "tpu.region"() ({
      %run_scoped3A = tpu.sem_alloc : memref<!tpu.dma_semaphore, #tpu.memory_space<semaphore_mem>>
      %dma_start3A = arith.constant 0 : i32
      %dma_start3A_40 = tpu.memref_slice %arg5[%mul3A_39, %dma_start3A] : memref<128x10240xf32, #tpu.memory_space<hbm>> -> memref<4x10240xf32, #tpu.memory_space<hbm>>
      %dma_start3A_41 = arith.constant 0 : i32
      %dma_start3A_42 = tpu.memref_slice %arg5[%mul3A_39, %dma_start3A_41] : memref<128x10240xf32, #tpu.memory_space<hbm>> -> memref<4x10240xf32, #tpu.memory_space<hbm>>
      tpu.enqueue_dma source(%arg7 : memref<4x10240xf32, #tpu.memory_space<vmem>>) target(%dma_start3A_42 : memref<4x10240xf32, #tpu.memory_space<hbm>>) target_semaphore(%run_scoped3A : memref<!tpu.dma_semaphore, #tpu.memory_space<semaphore_mem>>)
      %dma_wait3A = arith.constant 0 : i32
      %dma_wait3A_43 = tpu.memref_slice %arg5[%mul3A_39, %dma_wait3A] : memref<128x10240xf32, #tpu.memory_space<hbm>> -> memref<4x10240xf32, #tpu.memory_space<hbm>>
      %dma_wait3A_44 = arith.constant 0 : i32
      %dma_wait3A_45 = tpu.memref_slice %arg5[%mul3A_39, %dma_wait3A_44] : memref<128x10240xf32, #tpu.memory_space<hbm>> -> memref<4x10240xf32, #tpu.memory_space<hbm>>
      tpu.wait_dma2 semaphore(%run_scoped3A : memref<!tpu.dma_semaphore, #tpu.memory_space<semaphore_mem>>) src(%arg7 : memref<4x10240xf32, #tpu.memory_space<vmem>>) dst(%dma_wait3A_45 : memref<4x10240xf32, #tpu.memory_space<hbm>>)
      tpu.yield
    }) : () -> ()
    return
  }
}

module attributes {stable_mosaic.version = 14 : i64} {
  func.func @_norm_body(%arg0: i32, %arg1: memref<2000x128xf32, #tpu.memory_space<vmem>>, %arg2: memref<2000x128xf32, #tpu.memory_space<vmem>>) attributes {dimension_semantics = [#tpu.dimension_semantics<arbitrary>], iteration_bounds = array<i64: 5>, scalar_prefetch = 0 : i64, scratch_operands = 0 : i64, tpu.core_type = #tpu.core_type<tc>, window_params = [{transform_indices = @transform_0, window_bounds = array<i64: 2000, 128>}, {transform_indices = @transform_1, window_bounds = array<i64: 2000, 128>}]} {
    %get3A = arith.constant 0 : index
    %get3A_0 = arith.constant 0 : index
    %get3A_1 = vector.load %arg1[%get3A, %get3A_0] : memref<2000x128xf32, #tpu.memory_space<vmem>>, vector<2000x128xf32>
    %mul3A = arith.mulf %get3A_1, %get3A_1 : vector<2000x128xf32>
    %reduce_sum3A = arith.constant dense<0.000000e+00> : vector<2000xf32>
    %reduce_sum3A_2 = vector.multi_reduction <add>, %mul3A, %reduce_sum3A [1] : vector<2000x128xf32> to vector<2000xf32>
    %broadcast_in_dim3A = vector.shape_cast %reduce_sum3A_2 : vector<2000xf32> to vector<2000x1xf32>
    %sqrt3A = math.sqrt %broadcast_in_dim3A : vector<2000x1xf32>
    %max3A = arith.constant 9.99999996E-13 : f32
    %max3A_3 = vector.broadcast %max3A : f32 to vector<2000x1xf32>
    %max3A_4 = arith.maximumf %sqrt3A, %max3A_3 : vector<2000x1xf32>
    %div3A = vector.broadcast %max3A_4 : vector<2000x1xf32> to vector<2000x128xf32>
    %div3A_5 = arith.divf %get3A_1, %div3A : vector<2000x128xf32>
    %swap3A = arith.constant 0 : index
    %swap3A_6 = arith.constant 0 : index
    %swap3A_7 = vector.load %arg2[%swap3A, %swap3A_6] : memref<2000x128xf32, #tpu.memory_space<vmem>>, vector<2000x128xf32>
    tpu.vector_store %arg2[%swap3A, %swap3A_6], %div3A_5 {strides = array<i32>} : memref<2000x128xf32, #tpu.memory_space<vmem>>, vector<2000x128xf32>,
    return
  }
  func.func @transform_0(%arg0: i32) -> (i32, i32) {
    %c0_i32 = arith.constant 0 : i32
    %c0_i32_0 = arith.constant 0 : i32
    return %arg0, %c0_i32 : i32, i32
  }
  func.func @transform_1(%arg0: i32) -> (i32, i32) {
    %c0_i32 = arith.constant 0 : i32
    %c0_i32_0 = arith.constant 0 : i32
    return %arg0, %c0_i32 : i32, i32
  }
}

module attributes {stable_mosaic.version = 14 : i64} {
  func.func @_topk_body(%arg0: i32, %arg1: memref<400x128xf32, #tpu.memory_space<vmem>>, %arg2: memref<10000x128xf32, #tpu.memory_space<vmem>>, %arg3: memref<400x20xf32, #tpu.memory_space<vmem>>, %arg4: memref<400x20xi32, #tpu.memory_space<vmem>>, %arg5: memref<400x80x128xf32, #tpu.memory_space<vmem>>, %arg6: memref<400x128xf32, #tpu.memory_space<vmem>>) attributes {dimension_semantics = [#tpu.dimension_semantics<arbitrary>], iteration_bounds = array<i64: 25>, scalar_prefetch = 0 : i64, scratch_operands = 2 : i64, tpu.core_type = #tpu.core_type<tc>, window_params = [{transform_indices = @transform_0, window_bounds = array<i64: 400, 128>}, {pipeline_mode = #tpu.pipeline_mode<synchronous>, transform_indices = @transform_1, window_bounds = array<i64: 10000, 128>}, {transform_indices = @transform_2, window_bounds = array<i64: 400, 20>}, {transform_indices = @transform_3, window_bounds = array<i64: 400, 20>}]} {
    %get3A = arith.constant 0 : index
    %get3A_0 = arith.constant 0 : index
    %get3A_1 = vector.load %arg1[%get3A, %get3A_0] : memref<400x128xf32, #tpu.memory_space<vmem>>, vector<400x128xf32>
    %get3A_2 = arith.constant 0 : index
    %get3A_3 = arith.constant 0 : index
    %get3A_4 = vector.load %arg2[%get3A_2, %get3A_3] : memref<10000x128xf32, #tpu.memory_space<vmem>>, vector<10000x128xf32>
    %dot_general3A = arith.constant dense<0.000000e+00> : vector<400x10000xf32>
    %dot_general3A_5 = tpu.matmul %get3A_1, %get3A_4, %dot_general3A {dimension_numbers = #tpu.dot_dimension_numbers<[1], [1], [0], [0], [0, 0, 1, 0], [], []>, transpose_lhs_hint = false} : vector<400x128xf32>, vector<10000x128xf32>, vector<400x10000xf32> -> vector<400x10000xf32>
    %broadcast_in_dim3A = arith.constant -3.000000e+38 : f32
    %broadcast_in_dim3A_6 = vector.broadcast %broadcast_in_dim3A : f32 to vector<400x240xf32>
    %concatenate3A = tpu.concatenate %dot_general3A_5, %broadcast_in_dim3A_6 in 1 : vector<400x10000xf32>, vector<400x240xf32> -> vector<400x10240xf32>
    %reshape3A = vector.shape_cast %concatenate3A : vector<400x10240xf32> to vector<400x80x128xf32>
    %swap3A = arith.constant 0 : index
    %swap3A_7 = arith.constant 0 : index
    %swap3A_8 = arith.constant 0 : index
    %swap3A_9 = vector.load %arg5[%swap3A, %swap3A_7, %swap3A_8] : memref<400x80x128xf32, #tpu.memory_space<vmem>>, vector<400x80x128xf32>
    tpu.vector_store %arg5[%swap3A, %swap3A_7, %swap3A_8], %reshape3A {strides = array<i32>} : memref<400x80x128xf32, #tpu.memory_space<vmem>>, vector<400x80x128xf32>,
    %reduce_max3A = arith.constant dense<0xFF800000> : vector<400x128xf32>
    %reduce_max3A_10 = vector.multi_reduction <maximumf>, %reshape3A, %reduce_max3A [1] : vector<400x80x128xf32> to vector<400x128xf32>
    %swap3A_11 = arith.constant 0 : index
    %swap3A_12 = arith.constant 0 : index
    %swap3A_13 = vector.load %arg6[%swap3A_11, %swap3A_12] : memref<400x128xf32, #tpu.memory_space<vmem>>, vector<400x128xf32>
    tpu.vector_store %arg6[%swap3A_11, %swap3A_12], %reduce_max3A_10 {strides = array<i32>} : memref<400x128xf32, #tpu.memory_space<vmem>>, vector<400x128xf32>,
    %iota3A = tpu.iota {dimensions = array<i32: 1>} : vector<400x80x128xi32>
    %mul3A = arith.constant 128 : i32
    %mul3A_14 = vector.broadcast %mul3A : i32 to vector<400x80x128xi32>
    %mul3A_15 = arith.muli %iota3A, %mul3A_14 : vector<400x80x128xi32>
    %iota3A_16 = tpu.iota {dimensions = array<i32: 2>} : vector<400x80x128xi32>
    %add3A = arith.addi %mul3A_15, %iota3A_16 : vector<400x80x128xi32>
    %iota3A_17 = tpu.iota {dimensions = array<i32: 1>} : vector<400x20xi32>
    %broadcast_in_dim3A_18 = arith.constant 0.000000e+00 : f32
    %broadcast_in_dim3A_19 = vector.broadcast %broadcast_in_dim3A_18 : f32 to vector<400x20xf32>
    %swap3A_20 = arith.constant 0 : index
    %swap3A_21 = arith.constant 0 : index
    %swap3A_22 = vector.load %arg3[%swap3A_20, %swap3A_21] : memref<400x20xf32, #tpu.memory_space<vmem>>, vector<400x20xf32>
    tpu.vector_store %arg3[%swap3A_20, %swap3A_21], %broadcast_in_dim3A_19 {strides = array<i32>} : memref<400x20xf32, #tpu.memory_space<vmem>>, vector<400x20xf32>,
    %broadcast_in_dim3A_23 = arith.constant 0 : i32
    %broadcast_in_dim3A_24 = vector.broadcast %broadcast_in_dim3A_23 : i32 to vector<400x20xi32>
    %swap3A_25 = arith.constant 0 : index
    %swap3A_26 = arith.constant 0 : index
    %swap3A_27 = vector.load %arg4[%swap3A_25, %swap3A_26] : memref<400x20xi32, #tpu.memory_space<vmem>>, vector<400x20xi32>
    tpu.vector_store %arg4[%swap3A_25, %swap3A_26], %broadcast_in_dim3A_24 {strides = array<i32>} : memref<400x20xi32, #tpu.memory_space<vmem>>, vector<400x20xi32>,
    %scan3A = arith.constant 0 : i32
    %scan3A_28 = arith.constant 20 : i32
    %scan3A_29 = arith.addi %scan3A, %scan3A_28 : i32
    %scan3A_30 = arith.constant 1 : i32
    scf.for %scan3A_32 = %scan3A to %scan3A_29 step %scan3A_30  : i32 {
      %get3A_33 = arith.constant 0 : index
      %get3A_34 = arith.constant 0 : index
      %get3A_35 = arith.constant 0 : index
      %get3A_36 = vector.load %arg5[%get3A_33, %get3A_34, %get3A_35] : memref<400x80x128xf32, #tpu.memory_space<vmem>>, vector<400x80x128xf32>
      %get3A_37 = arith.constant 0 : index
      %get3A_38 = arith.constant 0 : index
      %get3A_39 = vector.load %arg6[%get3A_37, %get3A_38] : memref<400x128xf32, #tpu.memory_space<vmem>>, vector<400x128xf32>
      %reduce_max3A_40 = arith.constant dense<0xFF800000> : vector<400xf32>
      %reduce_max3A_41 = vector.multi_reduction <maximumf>, %get3A_39, %reduce_max3A_40 [1] : vector<400x128xf32> to vector<400xf32>
      %broadcast_in_dim3A_42 = vector.shape_cast %reduce_max3A_41 : vector<400xf32> to vector<400x1x1xf32>
      %ge3A = vector.broadcast %broadcast_in_dim3A_42 : vector<400x1x1xf32> to vector<400x80x128xf32>
      %ge3A_43 = arith.cmpf oge, %get3A_36, %ge3A : vector<400x80x128xf32>
      %jit3A = arith.constant 10240 : i32
      %broadcast_in_dim3A_44 = vector.broadcast %jit3A : i32 to vector<400x80x128xi32>
      %select_n3A = arith.select %ge3A_43, %add3A, %broadcast_in_dim3A_44 : vector<400x80x128xi1>, vector<400x80x128xi32>
      %reduce_min3A = arith.constant dense<2147483647> : vector<400xi32>
      %reduce_min3A_45 = vector.multi_reduction <minsi>, %select_n3A, %reduce_min3A [1, 2] : vector<400x80x128xi32> to vector<400xi32>
      %eq3A = vector.broadcast %scan3A_32 : i32 to vector<400x20xi32>
      %eq3A_46 = arith.cmpi eq, %iota3A_17, %eq3A : vector<400x20xi32>
      %broadcast_in_dim3A_47 = vector.shape_cast %reduce_max3A_41 : vector<400xf32> to vector<400x1xf32>
      %get3A_48 = arith.constant 0 : index
      %get3A_49 = arith.constant 0 : index
      %get3A_50 = vector.load %arg3[%get3A_48, %get3A_49] : memref<400x20xf32, #tpu.memory_space<vmem>>, vector<400x20xf32>
      %broadcast_in_dim3A_51 = vector.shape_cast %broadcast_in_dim3A_47 : vector<400x1xf32> to vector<400x1xf32>
      %broadcast_in_dim3A_52 = vector.broadcast %broadcast_in_dim3A_51 : vector<400x1xf32> to vector<400x20xf32>
      %select_n3A_53 = arith.select %eq3A_46, %broadcast_in_dim3A_52, %get3A_50 : vector<400x20xi1>, vector<400x20xf32>
      %swap3A_54 = arith.constant 0 : index
      %swap3A_55 = arith.constant 0 : index
      %swap3A_56 = vector.load %arg3[%swap3A_54, %swap3A_55] : memref<400x20xf32, #tpu.memory_space<vmem>>, vector<400x20xf32>
      tpu.vector_store %arg3[%swap3A_54, %swap3A_55], %select_n3A_53 {strides = array<i32>} : memref<400x20xf32, #tpu.memory_space<vmem>>, vector<400x20xf32>,
      %eq3A_57 = vector.broadcast %scan3A_32 : i32 to vector<400x20xi32>
      %eq3A_58 = arith.cmpi eq, %iota3A_17, %eq3A_57 : vector<400x20xi32>
      %broadcast_in_dim3A_59 = vector.shape_cast %reduce_min3A_45 : vector<400xi32> to vector<400x1xi32>
      %get3A_60 = arith.constant 0 : index
      %get3A_61 = arith.constant 0 : index
      %get3A_62 = vector.load %arg4[%get3A_60, %get3A_61] : memref<400x20xi32, #tpu.memory_space<vmem>>, vector<400x20xi32>
      %broadcast_in_dim3A_63 = vector.shape_cast %broadcast_in_dim3A_59 : vector<400x1xi32> to vector<400x1xi32>
      %broadcast_in_dim3A_64 = vector.broadcast %broadcast_in_dim3A_63 : vector<400x1xi32> to vector<400x20xi32>
      %select_n3A_65 = arith.select %eq3A_58, %broadcast_in_dim3A_64, %get3A_62 : vector<400x20xi1>, vector<400x20xi32>
      %swap3A_66 = arith.constant 0 : index
      %swap3A_67 = arith.constant 0 : index
      %swap3A_68 = vector.load %arg4[%swap3A_66, %swap3A_67] : memref<400x20xi32, #tpu.memory_space<vmem>>, vector<400x20xi32>
      tpu.vector_store %arg4[%swap3A_66, %swap3A_67], %select_n3A_65 {strides = array<i32>} : memref<400x20xi32, #tpu.memory_space<vmem>>, vector<400x20xi32>,
      %jit3A_69 = arith.constant -3.000000e+38 : f32
      %broadcast_in_dim3A_70 = vector.broadcast %jit3A_69 : f32 to vector<400x80x128xf32>
      %select_n3A_71 = arith.select %ge3A_43, %broadcast_in_dim3A_70, %get3A_36 : vector<400x80x128xi1>, vector<400x80x128xf32>
      %swap3A_72 = arith.constant 0 : index
      %swap3A_73 = arith.constant 0 : index
      %swap3A_74 = arith.constant 0 : index
      %swap3A_75 = vector.load %arg5[%swap3A_72, %swap3A_73, %swap3A_74] : memref<400x80x128xf32, #tpu.memory_space<vmem>>, vector<400x80x128xf32>
      tpu.vector_store %arg5[%swap3A_72, %swap3A_73, %swap3A_74], %select_n3A_71 {strides = array<i32>} : memref<400x80x128xf32, #tpu.memory_space<vmem>>, vector<400x80x128xf32>,
      %reduce_max3A_76 = arith.constant dense<0xFF800000> : vector<400x128xf32>
      %reduce_max3A_77 = vector.multi_reduction <maximumf>, %select_n3A_71, %reduce_max3A_76 [1] : vector<400x80x128xf32> to vector<400x128xf32>
      %swap3A_78 = arith.constant 0 : index
      %swap3A_79 = arith.constant 0 : index
      %swap3A_80 = vector.load %arg6[%swap3A_78, %swap3A_79] : memref<400x128xf32, #tpu.memory_space<vmem>>, vector<400x128xf32>
      tpu.vector_store %arg6[%swap3A_78, %swap3A_79], %reduce_max3A_77 {strides = array<i32>} : memref<400x128xf32, #tpu.memory_space<vmem>>, vector<400x128xf32>,
    }
    %scan3A_31 = arith.constant 20 : i32
    return
  }
  func.func @transform_0(%arg0: i32) -> (i32, i32) {
    %c0_i32 = arith.constant 0 : i32
    %c0_i32_0 = arith.constant 0 : i32
    return %arg0, %c0_i32 : i32, i32
  }
  func.func @transform_1(%arg0: i32) -> (i32, i32) {
    %c0_i32 = arith.constant 0 : i32
    %c0_i32_0 = arith.constant 0 : i32
    %c0_i32_1 = arith.constant 0 : i32
    return %c0_i32, %c0_i32_0 : i32, i32
  }
  func.func @transform_2(%arg0: i32) -> (i32, i32) {
    %c0_i32 = arith.constant 0 : i32
    %c0_i32_0 = arith.constant 0 : i32
    return %arg0, %c0_i32 : i32, i32
  }
  func.func @transform_3(%arg0: i32) -> (i32, i32) {
    %c0_i32 = arith.constant 0 : i32
    %c0_i32_0 = arith.constant 0 : i32
    return %arg0, %c0_i32 : i32, i32
  }
}

module attributes {stable_mosaic.version = 14 : i64} {
  func.func @_mmT_body(%arg0: i32, %arg1: memref<128x128xf32, #tpu.memory_space<vmem>>, %arg2: memref<128x1280xf32, #tpu.memory_space<vmem>>, %arg3: memref<128x1280xf32, #tpu.memory_space<vmem>>) attributes {dimension_semantics = [#tpu.dimension_semantics<arbitrary>], iteration_bounds = array<i64: 8>, scalar_prefetch = 0 : i64, scratch_operands = 0 : i64, tpu.core_type = #tpu.core_type<tc>, window_params = [{pipeline_mode = #tpu.pipeline_mode<synchronous>, transform_indices = @transform_0, window_bounds = array<i64: 128, 128>}, {transform_indices = @transform_1, window_bounds = array<i64: 128, 1280>}, {transform_indices = @transform_2, window_bounds = array<i64: 128, 1280>}]} {
    %get3A = arith.constant 0 : index
    %get3A_0 = arith.constant 0 : index
    %get3A_1 = vector.load %arg1[%get3A, %get3A_0] : memref<128x128xf32, #tpu.memory_space<vmem>>, vector<128x128xf32>
    %get3A_2 = arith.constant 0 : index
    %get3A_3 = arith.constant 0 : index
    %get3A_4 = vector.load %arg2[%get3A_2, %get3A_3] : memref<128x1280xf32, #tpu.memory_space<vmem>>, vector<128x1280xf32>
    %dot_general3A = arith.constant dense<0.000000e+00> : vector<128x1280xf32>
    %dot_general3A_5 = tpu.matmul %get3A_1, %get3A_4, %dot_general3A {dimension_numbers = #tpu.dot_dimension_numbers<[0], [0], [1], [1], [0, 1, 1, 1], [], []>, transpose_lhs_hint = false} : vector<128x128xf32>, vector<128x1280xf32>, vector<128x1280xf32> -> vector<128x1280xf32>
    %swap3A = arith.constant 0 : index
    %swap3A_6 = arith.constant 0 : index
    %swap3A_7 = vector.load %arg3[%swap3A, %swap3A_6] : memref<128x1280xf32, #tpu.memory_space<vmem>>, vector<128x1280xf32>
    tpu.vector_store %arg3[%swap3A, %swap3A_6], %dot_general3A_5 {strides = array<i32>} : memref<128x1280xf32, #tpu.memory_space<vmem>>, vector<128x1280xf32>,
    return
  }
  func.func @transform_0(%arg0: i32) -> (i32, i32) {
    %c0_i32 = arith.constant 0 : i32
    %c0_i32_0 = arith.constant 0 : i32
    %c0_i32_1 = arith.constant 0 : i32
    return %c0_i32, %c0_i32_0 : i32, i32
  }
  func.func @transform_1(%arg0: i32) -> (i32, i32) {
    %c0_i32 = arith.constant 0 : i32
    %c0_i32_0 = arith.constant 0 : i32
    return %c0_i32, %arg0 : i32, i32
  }
  func.func @transform_2(%arg0: i32) -> (i32, i32) {
    %c0_i32 = arith.constant 0 : i32
    %c0_i32_0 = arith.constant 0 : i32
    return %c0_i32, %arg0 : i32, i32
  }
}

module attributes {stable_mosaic.version = 14 : i64} {
  func.func @_dinv_body(%arg0: i32, %arg1: memref<32x10240xf32, #tpu.memory_space<vmem>>, %arg2: memref<1x10240xf32, #tpu.memory_space<vmem>>) attributes {dimension_semantics = [#tpu.dimension_semantics<arbitrary>], iteration_bounds = array<i64: 1>, scalar_prefetch = 0 : i64, scratch_operands = 0 : i64, tpu.core_type = #tpu.core_type<tc>, window_params = [{pipeline_mode = #tpu.pipeline_mode<synchronous>, transform_indices = @transform_0, window_bounds = array<i64: 32, 10240>}, {pipeline_mode = #tpu.pipeline_mode<synchronous>, transform_indices = @transform_1, window_bounds = array<i64: 1, 10240>}]} {
    %get3A = arith.constant 0 : index
    %get3A_0 = arith.constant 0 : index
    %get3A_1 = vector.load %arg1[%get3A, %get3A_0] : memref<32x10240xf32, #tpu.memory_space<vmem>>, vector<32x10240xf32>
    %reduce_sum3A = arith.constant dense<0.000000e+00> : vector<10240xf32>
    %reduce_sum3A_2 = vector.multi_reduction <add>, %get3A_1, %reduce_sum3A [0] : vector<32x10240xf32> to vector<10240xf32>
    %broadcast_in_dim3A = vector.shape_cast %reduce_sum3A_2 : vector<10240xf32> to vector<1x10240xf32>
    %gt3A = arith.constant 0.000000e+00 : f32
    %gt3A_3 = vector.broadcast %gt3A : f32 to vector<1x10240xf32>
    %gt3A_4 = arith.cmpf ogt, %broadcast_in_dim3A, %gt3A_3 : vector<1x10240xf32>
    %rsqrt3A = math.rsqrt %broadcast_in_dim3A : vector<1x10240xf32>
    %jit3A = arith.constant 0.000000e+00 : f32
    %broadcast_in_dim3A_5 = vector.broadcast %jit3A : f32 to vector<1x10240xf32>
    %select_n3A = arith.select %gt3A_4, %rsqrt3A, %broadcast_in_dim3A_5 : vector<1x10240xi1>, vector<1x10240xf32>
    %swap3A = arith.constant 0 : index
    %swap3A_6 = arith.constant 0 : index
    %swap3A_7 = vector.load %arg2[%swap3A, %swap3A_6] : memref<1x10240xf32, #tpu.memory_space<vmem>>, vector<1x10240xf32>
    tpu.vector_store %arg2[%swap3A, %swap3A_6], %select_n3A {strides = array<i32>} : memref<1x10240xf32, #tpu.memory_space<vmem>>, vector<1x10240xf32>,
    return
  }
  func.func @transform_0(%arg0: i32) -> (i32, i32) {
    %c0_i32 = arith.constant 0 : i32
    %c0_i32_0 = arith.constant 0 : i32
    %c0_i32_1 = arith.constant 0 : i32
    return %c0_i32, %c0_i32_0 : i32, i32
  }
  func.func @transform_1(%arg0: i32) -> (i32, i32) {
    %c0_i32 = arith.constant 0 : i32
    %c0_i32_0 = arith.constant 0 : i32
    %c0_i32_1 = arith.constant 0 : i32
    return %c0_i32, %c0_i32_0 : i32, i32
  }
}

module attributes {stable_mosaic.version = 14 : i64} {
  func.func @_scale_body(%arg0: i32, %arg1: memref<2000x20xf32, #tpu.memory_space<vmem>>, %arg2: memref<2000x1xf32, #tpu.memory_space<vmem>>, %arg3: memref<2000x20xf32, #tpu.memory_space<vmem>>) attributes {dimension_semantics = [#tpu.dimension_semantics<arbitrary>], iteration_bounds = array<i64: 5>, scalar_prefetch = 0 : i64, scratch_operands = 0 : i64, tpu.core_type = #tpu.core_type<tc>, window_params = [{transform_indices = @transform_0, window_bounds = array<i64: 2000, 20>}, {transform_indices = @transform_1, window_bounds = array<i64: 2000, 1>}, {transform_indices = @transform_2, window_bounds = array<i64: 2000, 20>}]} {
    %get3A = arith.constant 0 : index
    %get3A_0 = arith.constant 0 : index
    %get3A_1 = vector.load %arg1[%get3A, %get3A_0] : memref<2000x20xf32, #tpu.memory_space<vmem>>, vector<2000x20xf32>
    %get3A_2 = arith.constant 0 : index
    %get3A_3 = arith.constant 0 : index
    %get3A_4 = vector.load %arg2[%get3A_2, %get3A_3] : memref<2000x1xf32, #tpu.memory_space<vmem>>, vector<2000x1xf32>
    %mul3A = vector.broadcast %get3A_4 : vector<2000x1xf32> to vector<2000x20xf32>
    %mul3A_5 = arith.mulf %get3A_1, %mul3A : vector<2000x20xf32>
    %swap3A = arith.constant 0 : index
    %swap3A_6 = arith.constant 0 : index
    %swap3A_7 = vector.load %arg3[%swap3A, %swap3A_6] : memref<2000x20xf32, #tpu.memory_space<vmem>>, vector<2000x20xf32>
    tpu.vector_store %arg3[%swap3A, %swap3A_6], %mul3A_5 {strides = array<i32>} : memref<2000x20xf32, #tpu.memory_space<vmem>>, vector<2000x20xf32>,
    return
  }
  func.func @transform_0(%arg0: i32) -> (i32, i32) {
    %c0_i32 = arith.constant 0 : i32
    %c0_i32_0 = arith.constant 0 : i32
    return %arg0, %c0_i32 : i32, i32
  }
  func.func @transform_1(%arg0: i32) -> (i32, i32) {
    %c0_i32 = arith.constant 0 : i32
    %c0_i32_0 = arith.constant 0 : i32
    return %arg0, %c0_i32 : i32, i32
  }
  func.func @transform_2(%arg0: i32) -> (i32, i32) {
    %c0_i32 = arith.constant 0 : i32
    %c0_i32_0 = arith.constant 0 : i32
    return %arg0, %c0_i32 : i32, i32
  }
}

module attributes {stable_mosaic.version = 14 : i64} {
  func.func @_h2T_body(%arg0: i32, %arg1: memref<128x1280xf32, #tpu.memory_space<vmem>>, %arg2: memref<1x1280xf32, #tpu.memory_space<vmem>>, %arg3: memref<128x1xf32, #tpu.memory_space<vmem>>, %arg4: memref<128x128xf32, #tpu.memory_space<vmem>>, %arg5: memref<128x1280xf32, #tpu.memory_space<vmem>>) attributes {dimension_semantics = [#tpu.dimension_semantics<arbitrary>], iteration_bounds = array<i64: 8>, scalar_prefetch = 0 : i64, scratch_operands = 0 : i64, tpu.core_type = #tpu.core_type<tc>, window_params = [{transform_indices = @transform_0, window_bounds = array<i64: 128, 1280>}, {transform_indices = @transform_1, window_bounds = array<i64: 1, 1280>}, {pipeline_mode = #tpu.pipeline_mode<synchronous>, transform_indices = @transform_2, window_bounds = array<i64: 128, 1>}, {pipeline_mode = #tpu.pipeline_mode<synchronous>, transform_indices = @transform_3, window_bounds = array<i64: 128, 128>}, {transform_indices = @transform_4, window_bounds = array<i64: 128, 1280>}]} {
    %get3A = arith.constant 0 : index
    %get3A_0 = arith.constant 0 : index
    %get3A_1 = vector.load %arg1[%get3A, %get3A_0] : memref<128x1280xf32, #tpu.memory_space<vmem>>, vector<128x1280xf32>
    %get3A_2 = arith.constant 0 : index
    %get3A_3 = arith.constant 0 : index
    %get3A_4 = vector.load %arg2[%get3A_2, %get3A_3] : memref<1x1280xf32, #tpu.memory_space<vmem>>, vector<1x1280xf32>
    %mul3A = vector.broadcast %get3A_4 : vector<1x1280xf32> to vector<128x1280xf32>
    %mul3A_5 = arith.mulf %get3A_1, %mul3A : vector<128x1280xf32>
    %get3A_6 = arith.constant 0 : index
    %get3A_7 = arith.constant 0 : index
    %get3A_8 = vector.load %arg3[%get3A_6, %get3A_7] : memref<128x1xf32, #tpu.memory_space<vmem>>, vector<128x1xf32>
    %add3A = vector.broadcast %get3A_8 : vector<128x1xf32> to vector<128x1280xf32>
    %add3A_9 = arith.addf %mul3A_5, %add3A : vector<128x1280xf32>
    %max3A = arith.constant 0.000000e+00 : f32
    %max3A_10 = vector.broadcast %max3A : f32 to vector<128x1280xf32>
    %max3A_11 = arith.maximumf %add3A_9, %max3A_10 : vector<128x1280xf32>
    %get3A_12 = arith.constant 0 : index
    %get3A_13 = arith.constant 0 : index
    %get3A_14 = vector.load %arg4[%get3A_12, %get3A_13] : memref<128x128xf32, #tpu.memory_space<vmem>>, vector<128x128xf32>
    %dot_general3A = arith.constant dense<0.000000e+00> : vector<128x1280xf32>
    %dot_general3A_15 = tpu.matmul %get3A_14, %max3A_11, %dot_general3A {dimension_numbers = #tpu.dot_dimension_numbers<[0], [0], [1], [1], [0, 1, 1, 1], [], []>, transpose_lhs_hint = false} : vector<128x128xf32>, vector<128x1280xf32>, vector<128x1280xf32> -> vector<128x1280xf32>
    %swap3A = arith.constant 0 : index
    %swap3A_16 = arith.constant 0 : index
    %swap3A_17 = vector.load %arg5[%swap3A, %swap3A_16] : memref<128x1280xf32, #tpu.memory_space<vmem>>, vector<128x1280xf32>
    tpu.vector_store %arg5[%swap3A, %swap3A_16], %dot_general3A_15 {strides = array<i32>} : memref<128x1280xf32, #tpu.memory_space<vmem>>, vector<128x1280xf32>,
    return
  }
  func.func @transform_0(%arg0: i32) -> (i32, i32) {
    %c0_i32 = arith.constant 0 : i32
    %c0_i32_0 = arith.constant 0 : i32
    return %c0_i32, %arg0 : i32, i32
  }
  func.func @transform_1(%arg0: i32) -> (i32, i32) {
    %c0_i32 = arith.constant 0 : i32
    %c0_i32_0 = arith.constant 0 : i32
    return %c0_i32, %arg0 : i32, i32
  }
  func.func @transform_2(%arg0: i32) -> (i32, i32) {
    %c0_i32 = arith.constant 0 : i32
    %c0_i32_0 = arith.constant 0 : i32
    %c0_i32_1 = arith.constant 0 : i32
    return %c0_i32, %c0_i32_0 : i32, i32
  }
  func.func @transform_3(%arg0: i32) -> (i32, i32) {
    %c0_i32 = arith.constant 0 : i32
    %c0_i32_0 = arith.constant 0 : i32
    %c0_i32_1 = arith.constant 0 : i32
    return %c0_i32, %c0_i32_0 : i32, i32
  }
  func.func @transform_4(%arg0: i32) -> (i32, i32) {
    %c0_i32 = arith.constant 0 : i32
    %c0_i32_0 = arith.constant 0 : i32
    return %c0_i32, %arg0 : i32, i32
  }
}

module attributes {stable_mosaic.version = 14 : i64} {
  func.func @_finT_body(%arg0: i32, %arg1: memref<128x1280xf32, #tpu.memory_space<vmem>>, %arg2: memref<1x1280xf32, #tpu.memory_space<vmem>>, %arg3: memref<128x1xf32, #tpu.memory_space<vmem>>, %arg4: memref<1280x128xf32, #tpu.memory_space<vmem>>) attributes {dimension_semantics = [#tpu.dimension_semantics<arbitrary>], iteration_bounds = array<i64: 8>, scalar_prefetch = 0 : i64, scratch_operands = 0 : i64, tpu.core_type = #tpu.core_type<tc>, window_params = [{transform_indices = @transform_0, window_bounds = array<i64: 128, 1280>}, {transform_indices = @transform_1, window_bounds = array<i64: 1, 1280>}, {pipeline_mode = #tpu.pipeline_mode<synchronous>, transform_indices = @transform_2, window_bounds = array<i64: 128, 1>}, {transform_indices = @transform_3, window_bounds = array<i64: 1280, 128>}]} {
    %get3A = arith.constant 0 : index
    %get3A_0 = arith.constant 0 : index
    %get3A_1 = vector.load %arg1[%get3A, %get3A_0] : memref<128x1280xf32, #tpu.memory_space<vmem>>, vector<128x1280xf32>
    %get3A_2 = arith.constant 0 : index
    %get3A_3 = arith.constant 0 : index
    %get3A_4 = vector.load %arg2[%get3A_2, %get3A_3] : memref<1x1280xf32, #tpu.memory_space<vmem>>, vector<1x1280xf32>
    %mul3A = vector.broadcast %get3A_4 : vector<1x1280xf32> to vector<128x1280xf32>
    %mul3A_5 = arith.mulf %get3A_1, %mul3A : vector<128x1280xf32>
    %get3A_6 = arith.constant 0 : index
    %get3A_7 = arith.constant 0 : index
    %get3A_8 = vector.load %arg3[%get3A_6, %get3A_7] : memref<128x1xf32, #tpu.memory_space<vmem>>, vector<128x1xf32>
    %add3A = vector.broadcast %get3A_8 : vector<128x1xf32> to vector<128x1280xf32>
    %add3A_9 = arith.addf %mul3A_5, %add3A : vector<128x1280xf32>
    %transpose3A = tpu.transpose %add3A_9, [1, 0] : vector<128x1280xf32> -> vector<1280x128xf32>
    %swap3A = arith.constant 0 : index
    %swap3A_10 = arith.constant 0 : index
    %swap3A_11 = vector.load %arg4[%swap3A, %swap3A_10] : memref<1280x128xf32, #tpu.memory_space<vmem>>, vector<1280x128xf32>
    tpu.vector_store %arg4[%swap3A, %swap3A_10], %transpose3A {strides = array<i32>} : memref<1280x128xf32, #tpu.memory_space<vmem>>, vector<1280x128xf32>,
    return
  }
  func.func @transform_0(%arg0: i32) -> (i32, i32) {
    %c0_i32 = arith.constant 0 : i32
    %c0_i32_0 = arith.constant 0 : i32
    return %c0_i32, %arg0 : i32, i32
  }
  func.func @transform_1(%arg0: i32) -> (i32, i32) {
    %c0_i32 = arith.constant 0 : i32
    %c0_i32_0 = arith.constant 0 : i32
    return %c0_i32, %arg0 : i32, i32
  }
  func.func @transform_2(%arg0: i32) -> (i32, i32) {
    %c0_i32 = arith.constant 0 : i32
    %c0_i32_0 = arith.constant 0 : i32
    %c0_i32_1 = arith.constant 0 : i32
    return %c0_i32, %c0_i32_0 : i32, i32
  }
  func.func @transform_3(%arg0: i32) -> (i32, i32) {
    %c0_i32 = arith.constant 0 : i32
    %c0_i32_0 = arith.constant 0 : i32
    return %arg0, %c0_i32 : i32, i32
  }
}

</mosaic_0001>

<sc_bundles>
// kernel: kernel.12.cloned.1.call-start
scs
__scs_entry_jumppad:
0x0: {  	(pc) =	sbr.rel $0x88, $3  }
0x1: {  	(tag) =	ssettag $0x0;
	lr =	simm.s32 $0x1  }
0x2: {  	[smem:$0x3F9C] =	sst lr;
	_ =	strace $0xD0000000  }
0x3: {  	_ = 	snop  }
0x4: {  	_ = 	snop  }
0x5: {  	_ = 	snop  }
0x6: {  	_ = 	snop  }
0x7: {  	_ = 	snop  }
__scs_overlays_trampoline_lowered:
0x8: {  	[smem:$0x3FAB] =	sst s0  }
0x9: {  	[smem:$0x3FAC] =	sst s1  }
0xa: {  	[smem:$0x3FAD] =	sst s2  }
0xb: {  	[smem:$0x3FAE] =	sst s3  }
0xc: {  	[smem:$0x3FAF] =	sst s4  }
0xd: {  	[smem:$0x3FB0] =	sst s5  }
0xe: {  	[smem:$0x3FB1] =	sst s6  }
0xf: {  	[smem:$0x3FB2] =	sst s7  }
0x10: {  	[smem:$0x3FB3] =	sst s8  }
0x11: {  	[smem:$0x3FB4] =	sst s9;
	s0 =	simm.s32 @!p0 $0x0  }
0x12: {  	s1 =	sld [smem:$0x3F9A];
	s0 =	simm.s32 @p0 $0x1  }
0x13: {  	[smem:$0x3FB5] =	sst s0;
	s0 =	simm.s32 @!p1 $0x0  }
0x14: {  	s2 =	sld [smem:$0x3F99];
	s0 =	simm.s32 @p1 $0x1  }
0x15: {  	[smem:$0x3FB6] =	sst s0;
	s0 =	simm.s32 @!p2 $0x0  }
0x16: {  	s3 =	sld [smem:$0x3FDB];
	s0 =	simm.s32 @p2 $0x1  }
0x17: {  	s4 =	simm.s32 $0x1BF5;
	[smem:$0x3FB8] =	sst s0  }
0x18: {  	s0 =	sld [smem:$0x3F9B];
	_ =	swait.ge [sflag:s4], $0x0  }
0x19: {  	s7 =	sld [smem:$0x3F9C]  }
0x1a: {  	s8 =	sadd.s32 $0xFFFFE003, lr  }
0x1b: {  	s9 =	sadd.s32 $0xFFFFFEF7, lr;
	s5 =	simm.s32 $0xFFFFFFFF;
	p2 =	slt.u32 s8, $0xFFFFF086  }
0x1c: {  	p1 =	slt.u32 s9, $0xF7A;
	s5 =	simm.s32 @!p2 $0x0  }
0x1d: {  	s5 =	simm.s32 @p1 $0x1;
	p0 =	seq.s32 s7, s2  }
0x1e: {  	s7 =	smul.u32 @!p0 $0xF7A, s2;
	p2 =	seq.s32 @!p0 s5, $0x0  }
0x1f: {  	s9 =	smul.u32 $0xF7A, s1;
	s8 =	simm.s32 @!p0 $0x1BF5;
	p2 =	por !p2, p0  }
0x20: {  	[sflag:s8] =	ssyncset.s32 @!p0 $0xFFFFF086;
	s6 =	sadd.s32 @!p0 s3, s7;
	s7 =	simm.s32 @!p0 $0x108  }
0x21: {  	s3 =	sadd.s32 s3, s9;
	s6 =	sadd.s32 @!p0 $0x88, s6;
	s7 =	simm.s32 @p2 $0x1082  }
0x22: {  	[simem:s7], [sflag:s8] =	dma.local @!p0 [hbm:s6], $0xF7A  }
0x23: {  	s9 =	sor.u32 $0xD0000000, s2;
	s6 =	simm.s32 $0x108;
	_ =	swait.ge @!p0 [sflag:s8], $0x0  }
0x24: {  	s3 =	sadd.s32 $0x88, s3;
	s6 =	simm.s32 @!p1 $0x1082;
	[sflag:s4] =	ssyncset.s32 $0xFFFFF086  }
0x25: {  	[simem:s6], [sflag:s4] =	dma.local [hbm:s3], $0xF7A  }
0x26: {  	[smem:$0x3F9C] =	sst s1;
	(tag) =	ssettag s2;
	_ =	strace s9  }
0x27: {  	s1 =	sld [smem:$0x3FAC]  }
0x28: {  	s2 =	sld [smem:$0x3FAD]  }
0x29: {  	s4 =	sld [smem:$0x3FAF]  }
0x2a: {  	p0 =	seq.s32 s5, $0x0;
	s5 =	sld [smem:$0x3FB0]  }
0x2b: {  	s6 =	sld [smem:$0x3FB1]  }
0x2c: {  	s7 =	sld [smem:$0x3FB2]  }
0x2d: {  	s3 =	simm.s32 $0x108;
	s8 =	sld [smem:$0x3FB3]  }
0x2e: {  	s3 =	simm.s32 @!p0 $0x1082;
	s9 =	sld [smem:$0x3FB4]  }
0x2f: {  	lr =	sadd.s32 s0, s3;
	s0 =	sld [smem:$0x3FAB]  }
0x30: {  	s3 =	sld [smem:$0x3FAE]  }
0x31: {  	[smem:$0x3FB7] =	sst s10  }
0x32: {  	s10 =	sld [smem:$0x3FB5];
	_ =	sdelay $0x3  }
0x33: {  	p0 =	seq.s32 s10, $0x1;
	s10 =	sld [smem:$0x3FB7];
	_ =	sdelay $0x3  }
0x34: {  	[smem:$0x3FB7] =	sst s10  }
0x35: {  	s10 =	sld [smem:$0x3FB6];
	_ =	sdelay $0x3  }
0x36: {  	p1 =	seq.s32 s10, $0x1;
	s10 =	sld [smem:$0x3FB7];
	_ =	sdelay $0x3  }
0x37: {  	[smem:$0x3FB7] =	sst s10  }
0x38: {  	s10 =	sld [smem:$0x3FB8]  }
0x39: {  	_ = 	snop;
	(pc) =	sbr.ind lr, $3  }
0x3a: {  	_ = 	snop  }
0x3b: {  	_ = 	snop  }
0x3c: {  	p2 =	seq.s32 s10, $0x1;
	s10 =	sld [smem:$0x3FB7]  }
0x3d: {  	_ =	shalt  }
0x3e: {  	_ =	shalt  }
0x3f: {  	_ =	shalt  }
0x40: {  	_ =	shalt  }
0x41: {  	_ =	shalt  }
0x42: {  	_ =	shalt  }
0x43: {  	_ =	shalt  }
0x44: {  	_ =	shalt  }
0x45: {  	_ =	shalt  }
0x46: {  	_ =	shalt  }
0x47: {  	_ =	shalt  }
0x48: {  	_ =	shalt  }
0x49: {  	_ =	shalt  }
0x4a: {  	_ =	shalt  }
0x4b: {  	_ =	shalt  }
0x4c: {  	_ =	shalt  }
0x4d: {  	_ =	shalt  }
0x4e: {  	_ =	shalt  }
0x4f: {  	_ =	shalt  }
0x50: {  	_ =	shalt  }
0x51: {  	_ =	shalt  }
0x52: {  	_ =	shalt  }
0x53: {  	_ =	shalt  }
0x54: {  	_ =	shalt  }
0x55: {  	_ =	shalt  }
0x56: {  	_ =	shalt  }
0x57: {  	_ =	shalt  }
0x58: {  	_ =	shalt  }
0x59: {  	_ =	shalt  }
0x5a: {  	_ =	shalt  }
0x5b: {  	_ =	shalt  }
0x5c: {  	_ =	shalt  }
0x5d: {  	_ =	shalt  }
0x5e: {  	_ =	shalt  }
0x5f: {  	_ =	shalt  }
0x60: {  	_ =	shalt  }
0x61: {  	_ =	shalt  }
0x62: {  	_ =	shalt  }
0x63: {  	_ =	shalt  }
0x64: {  	_ =	shalt  }
0x65: {  	_ =	shalt  }
0x66: {  	_ =	shalt  }
0x67: {  	_ =	shalt  }
0x68: {  	_ =	shalt  }
0x69: {  	_ =	shalt  }
0x6a: {  	_ =	shalt  }
0x6b: {  	_ =	shalt  }
0x6c: {  	_ =	shalt  }
0x6d: {  	_ =	shalt  }
0x6e: {  	_ =	shalt  }
0x6f: {  	_ =	shalt  }
0x70: {  	_ =	shalt  }
0x71: {  	_ =	shalt  }
0x72: {  	_ =	shalt  }
0x73: {  	_ =	shalt  }
0x74: {  	_ =	shalt  }
0x75: {  	_ =	shalt  }
0x76: {  	_ =	shalt  }
0x77: {  	_ =	shalt  }
0x78: {  	_ =	shalt  }
0x79: {  	_ =	shalt  }
0x7a: {  	_ =	shalt  }
0x7b: {  	_ =	shalt  }
0x7c: {  	_ =	shalt  }
0x7d: {  	_ =	shalt  }
0x7e: {  	_ =	shalt  }
0x7f: {  	_ =	shalt  }
0x80: {  	_ =	shalt  }
0x81: {  	_ =	shalt  }
0x82: {  	_ =	shalt  }
0x83: {  	_ =	shalt  }
0x84: {  	_ =	shalt  }
0x85: {  	_ =	shalt  }
0x86: {  	_ =	shalt  }
0x87: {  	_ =	shalt  }
.Lfunc_end0:
.L_simem_size_0:
called_computation_lowered:
.L_overlay_start_0:
0x88: {  	s2 =	sld [smem:$0x3FD9]  }
0x89: {  	s3 =	sld [smem:$0x3FFE];
	_ =	sdelay $0x1  }
0x8a: {  	s1 =	srdreg.scid  }
0x8b: {  	s0 =	sand.u32 $0x1, s1  }
0x8c: {  	s17 =	sshll.u32 s0, $0xA;
	s2 =	sadd.s32 s3, s2  }
0x8d: {  	s2 =	sadd.s32 s2, s17  }
0x8e: {  	[smem:$0x3FC3] =	sst s2  }
0x8f: {  	_ = 	snop  }
0x90: {  	s2 =	sld [smem:$0x3FD0];
	(tm) =	ssettm $0x1  }
0x91: {  	s18 =	sld [smem:$0x3FFB];
	_ =	sdelay $0x3  }
0x92: {  	_ =	strace s18  }
0x93: {  	s3 =	sld [smem:$0x3FFC];
	_ =	sdelay $0x3  }
0x94: {  	_ =	strace s3  }
0x95: {  	s3 =	sld [smem:$0x3FFD];
	_ =	sdelay $0x3  }
0x96: {  	_ =	strace s3  }
0x97: {  	_ =	strace $0x8FFFFFFF  }
0x98: {  	s19 =	sld [smem:$0x3FDB];
	_ =	sdelay $0x1  }
0x99: {  	s4 =	simm.s32 $_scs_section_size  }
0x9a: {  	s5 =	simm.s32 $_size__tile_overlayer_lowered;
	s6 =	simm.s32 $_tile_overlayer_lowered  }
0x9b: {  	s22 =	simm.s32 $0x1BFF;
	s21 =	sshll.u32 s6, $0x1;
	s3 =	sadd.s32 s4, s19  }
0x9c: {  	s7 =	simm.s32 $0x0;
	s20 =	sshll.u32 s5, $0x1;
	s5 =	sadd.s32 s21, s3  }
0x9d: {  	[timem:s7], [sflag:s22] =	dma.local [hbm:s5], s20  }
0x9e: {  	_ =	swait.ge [sflag:s22], s20  }
0x9f: {  	s4 =	ssub.s32 $0x0, s20;
	[sflag:s22] =	ssyncset.done $0x0  }
0xa0: {  	[sflag:s22] =	ssyncadd.s32 s4;
	_ =	sdelay $0x1  }
0xa1: {  	s23 =	simm.s32 $0x1B8B  }
0xa2: {  	_ =	swait.ge [sflag:s23], $0x1  }
0xa3: {  	[sflag:s23] =	ssyncset.done $0x0  }
0xa4: {  	s25 =	simm.s32 $0x1B8E;
	s24 =	sld [smem:$0x3FFE];
	[sflag:s23] =	ssyncadd.s32 $0xFFFFFFFF  }
0xa5: {  	s26 =	simm.s32 $execute0_lowered;
	[smem:$0x3FD2] =	sst s25  }
0xa6: {  	s5 =	sshll.u32 s26, $0x1;
	_ =	strace $0x80000046;
	[dreg:$0x1] =	wrdreg $0xFFFFFFFF  }
0xa7: {  	s28 =	simm.s32 $_size_execute0_lowered;
	s3 =	sadd.s32 s3, s5;
	[dreg:$0x0] =	wrdreg $0x0  }
0xa8: {  	s5 =	sshll.u32 s28, $0x1;
	[dreg:$0x2] =	wrdreg s3  }
0xa9: {  	[dreg:$0x3] =	wrdreg s5  }
0xaa: {  	[dreg:$0x4] =	wrdreg $0xC0  }
0xab: {  	_ =	task [dreg:s7], $0x5FFFF  }
0xac: {  	[dreg:$0x1] =	wrdreg $0xFFFFFFFF  }
0xad: {  	[dreg:$0x0] =	wrdreg $0x60  }
0xae: {  	[dreg:$0x2] =	wrdreg s24  }
0xaf: {  	[dreg:$0x3] =	wrdreg s2  }
0xb0: {  	[dreg:$0x4] =	wrdreg $0x9  }
0xb1: {  	_ =	task.clear_ibuf [dreg:s7], $0x5FFFF;
	_ =	strace $0x90000046  }
0xb2: {  	s29 =	simm.s32 $0x9;
	_ =	strace $0x80000048  }
0xb3: {  	_ =	swait.ge [sflag:s29], $0x1  }
0xb4: {  	[sflag:s29] =	ssyncadd.s32 $0xFFFFFFFF  }
0xb5: {  	_ =	strace $0x90000048  }
0xb6: {  	_ =	sfence  }
0xb7: {  	s30 =	sld [smem:$0x0];
	_ =	sdelay $0x2  }
0xb8: {  	s31 =	sshll.u32 s1, $0xD;
	s1 =	sshrl.u32 s1, $0x2  }
0xb9: {  	s3 =	sand.u32 $0x4000, s31;
	s1 =	sadd.s32 s1, s30  }
0xba: {  	s0 =	sor.u32 s3, s0;
	s1 =	sshll.u32 s1, $0x11  }
0xbb: {  	s0 =	sor.u32 s1, s0  }
0xbc: {  	s0 =	sadd.s32 $0x8F2B, s0  }
0xbd: {  	[sflag:s0] =	ssyncadd.remote.s32 $0x1  }
0xbe: {  	_ =	sfence.sel $0xFFFF  }
0xbf: {  	[dreg:$0x0] =	wrdreg $0xFFFFFFFF;
	(pc) =	sbr.abs _section_cstart, $3  }
0xc0: {  	[dreg:$0x1] =	wrdreg $0xFFFFFFFF  }
0xc1: {  	_ =	task.clear_ibuf [dreg:s7], $0x2FFFF;
	_ =	strace $0x9FFFFFFF  }
0xc2: {  	(tm) =	ssettm $0x7FFFFFFF  }
0xc3: {  	_ =	shalt  }
tec
execute0_lowered:
.L_overlay_start_1:
0x0: {  	(tag) =	ssettag $0x1  }
0x1: {  	s3 =	rddreg [dreg:$0x0]  }
0x2: {  	s7 =	rddreg [dreg:$0x1]  }
0x3: {  	s0 =	rddreg [dreg:$0x2];
	s4 =	srdreg.scid  }
0x4: {  	s1 =	stileid.u32;
	s2 =	simm.s32 $0x0;
	s13 =	simm.s32 $0x400  }
0x5: {  	s4 =	sand.u32 $0x1, s4;
	s5 =	sshll.u32 s1, $0x1;
	[smem:$0x7FF] =	sst s2  }
0x6: {  	s6 =	sadd.s32 $0x2200, s3;
	s10 =	sshrl.u32 s1, $0x2;
	s5 =	sor.u32 s4, s5  }
0x7: {  	s12 =	sadd.s32 $0x2A200, s3;
	s4 =	ssub.s32 $0x2, s4;
	s8 =	smul.u32 $0x1400, s5  }
0x8: {  	_ =	strace $0x80000047;
	s9 =	smul.u32 $0xA000, s5;
	s11 =	sshrl.u32 s4, $0x1  }
0x9: {  	s10 =	smul.u32 $0x14000, s10;
	s5 =	sshll.u32 s5, $0x7;
	s11 =	ssub.s32 s4, s11  }
0xa: {  	s28 =	sand.u32 $0x380, s5;
	s3 =	sadd.s32 s6, s8;
	s29 =	sshrl.u32 s9, $0x3  }
0xb: {  	s30 =	sor.u32 s10, s28;
	s4 =	sadd.s32 s12, s8;
	s8 =	smax.u32 s11, $0x1  }
0xc: {  	s10 =	simm.s32 $0x5000;
	s11 =	simm.s32 $0xA000;
	s31 =	sadd.s32 $0xA00, s29  }
0xd: {  	s9 =	sshrl.u32 s30, $0x3;
	s5 =	sadd.s32 s6, s31;
	s6 =	sadd.s32 s12, s31  }
0xe: {  	v0 =	vimm.f32 $0.0e+00;
	s7 =	sadd.s32 s7, s9;
	s9 =	simm.s32 $0x1;
	s12 =	simm.s32 $0x80  }
.LBB2_1:
0xf: {  	s14 =	simm.s32 $0x40;
	s15 =	simm.s32 $0x0  }
.LBB2_2:
0x10: {  	p0 =	sne.s32 s14, $0x9FC0;
	[tilespmem:s15+$0xA000] =	vst v0;
	s15 =	smov.u32 s14;
	s14 =	sadd.s32 $0x40, s14  }
.Ltmp0:
0x11: {  	(pc) =	sbr.rel @p0 .LBB2_2-.Ltmp0, $2  }
0x12: {  	_ =	sdelay $0x2  }
0x13: {  	s15 =	sshra.s32 s15, $0x2  }
0x14: {  	[tilespmem:s15+$0xA000] =	vst v0;
	s14 =	simm.s32 $0x0  }
0x15: {  	[tilespmem:s14], [sflag:$0x1] =	stream.linear.gather [hbm4b:s3+s14], $0x5000, $0x38;
	[tilespmem:$0xC800] =	vst v63  }
0x16: {  	_ =	swait.ge [sflag:s9], $0x5000  }
0x17: {  	[sflag:s9] =	ssyncset.done $0x0  }
0x18: {  	[sflag:s9] =	ssyncadd.s32 $0xFFFFB000  }
0x19: {  	[tilespmem:s10], [sflag:$0x1] =	stream.linear.gather [hbm4b:s4+s14], $0x5000, $0x38;
	[tilespmem:$0xC800] =	vst v63  }
0x1a: {  	_ =	swait.ge [sflag:s9], $0x5000  }
0x1b: {  	[sflag:s9] =	ssyncset.done $0x0  }
0x1c: {  	[sflag:s9] =	ssyncadd.s32 $0xFFFFB000  }
.LBB2_4:
0x1d: {  	s15 =	sshra.s32 s14, $0x2  }
0x1e: {  	v1 =	vld [tilespmem:s15+$0x0];
	_ =	sdelay $0x4  }
0x1f: {  	vm0 =	vne.s32 v1, $0x2710  }
0x20: {  	v2 =	vld [tilespmem:s15+$0x5000];
	_ =	sdelay $0x4  }
0x21: {  	[tilespmem:v1+s11+$0x0] =	vst.idx.add.f32.msk vm0, v2  }
0x22: {  	v1 =	vld [tilespmem:s15+$0x10];
	_ =	sdelay $0x4  }
0x23: {  	vm15 =	vne.s32 v1, $0x2710  }
0x24: {  	p0 =	sne.s32 s14, $0x13E00;
	v2 =	vld [tilespmem:s15+$0x5010]  }
.Ltmp1:
0x25: {  	_ = 	snop;
	(pc) =	sbr.rel @p0 .LBB2_4-.Ltmp1, $2  }
0x26: {  	_ =	sdelay $0x2  }
0x27: {  	s14 =	sadd.s32 $0x200, s14;
	[tilespmem:v1+s11+$0x0] =	vst.idx.add.f32.msk vm15, v2  }
0x28: {  	s14 =	simm.s32 $0x0  }
0x29: {  	[tilespmem:s14], [sflag:$0x1] =	stream.linear.gather [hbm4b:s5+s14], $0x5000, $0x38;
	[tilespmem:$0xC800] =	vst v63  }
0x2a: {  	_ =	swait.ge [sflag:s9], $0x5000  }
0x2b: {  	[sflag:s9] =	ssyncset.done $0x0  }
0x2c: {  	[sflag:s9] =	ssyncadd.s32 $0xFFFFB000  }
0x2d: {  	[tilespmem:s10], [sflag:$0x1] =	stream.linear.gather [hbm4b:s6+s14], $0x5000, $0x38;
	[tilespmem:$0xC800] =	vst v63  }
0x2e: {  	_ =	swait.ge [sflag:s9], $0x5000  }
0x2f: {  	[sflag:s9] =	ssyncset.done $0x0  }
0x30: {  	[sflag:s9] =	ssyncadd.s32 $0xFFFFB000  }
.LBB2_6:
0x31: {  	s15 =	sshra.s32 s14, $0x2  }
0x32: {  	v1 =	vld [tilespmem:s15+$0x0];
	_ =	sdelay $0x4  }
0x33: {  	vm0 =	vne.s32 v1, $0x2710  }
0x34: {  	v2 =	vld [tilespmem:s15+$0x5000];
	_ =	sdelay $0x4  }
0x35: {  	[tilespmem:v1+s11+$0x0] =	vst.idx.add.f32.msk vm0, v2  }
0x36: {  	v1 =	vld [tilespmem:s15+$0x10];
	_ =	sdelay $0x4  }
0x37: {  	vm15 =	vne.s32 v1, $0x2710  }
0x38: {  	p0 =	sne.s32 s14, $0x13E00;
	v2 =	vld [tilespmem:s15+$0x5010]  }
.Ltmp2:
0x39: {  	_ = 	snop;
	(pc) =	sbr.rel @p0 .LBB2_6-.Ltmp2, $2  }
0x3a: {  	_ =	sdelay $0x2  }
0x3b: {  	s14 =	sadd.s32 $0x200, s14;
	[tilespmem:v1+s11+$0x0] =	vst.idx.add.f32.msk vm15, v2  }
0x3c: {  	s2 =	sadd.s32 $0x1, s2  }
0x3d: {  	p0 =	sne.s32 s2, s8  }
.Ltmp3:
0x3e: {  	_ = 	snop;
	(pc) =	sbr.rel @p0 .LBB2_1-.Ltmp3, $4  }
0x3f: {  	[hbm4b:s7+s12] =	stream.strided.scatter [tilespmem:s11], [sflag:$0x1], $0x2800, s13, s12, $0x38;
	[tilespmem:$0xC800] =	vst v63  }
0x40: {  	_ =	swait.ge [sflag:s9], $0x2800  }
0x41: {  	[sflag:s9] =	ssyncset.done $0x0  }
0x42: {  	[sflag:s9] =	ssyncadd.s32 $0xFFFFD800  }
0x43: {  	_ =	sfence.sel $0x180000  }
0x44: {  	[bflag:$0x0] =	sbarrier.arrive $0xFFFF  }
0x45: {  	p0 =	sne.s32 s1, $0x0;
	_ =	strace $0x90000047  }
0x46: {  	s0 =	sadd.s32 @!p0 $0x100000, s0;
	[bflag:$0x2] =	sbarrier.arrive $0xFFFF  }
0x47: {  	[sflag:s0] =	ssyncadd.tile.s32 @!p0 $0x1;
	_ =	shalt  }
.Lfunc_end2:
_tile_overlayer_lowered:
.L_overlay_start_2:
0x48: {  	(tag) =	ssettag $0x2  }
0x49: {  	s0 =	rddreg [dreg:$0x0];
	s2 =	stileid.u32  }
0x4a: {  	s1 =	rddreg [dreg:$0x1];
	p0 =	sne.s32 s2, $0x0  }
0x4b: {  	s3 =	rddreg [dreg:$0x2];
	[bflag:$0x3] =	sbarrier.arrive $0xFFFF;
	s2 =	simm.s32 @!p0 $0x1C01  }
0x4c: {  	[timem:s3], [sflag:s2] =	dma.local @!p0 [hbm:s0], s1  }
0x4d: {  	s0 =	simm.s32 @!p0 $0x1  }
0x4e: {  	_ =	swait.ge @!p0 [sflag:s0], s1  }
0x4f: {  	s1 =	ssub.s32 @!p0 $0x0, s1;
	[sflag:s0] =	ssyncset.done @!p0 $0x0  }
0x50: {  	[sflag:s0] =	ssyncadd.s32 @!p0 s1  }
0x51: {  	[bflag:$0x3] =	sbarrier.arrive $0xFFFF  }
0x52: {  	_ =	shalt  }

// kernel: kernel.15.cloned.1.call-start
scs
__scs_entry_jumppad:
0x0: {  	(pc) =	sbr.rel $0x88, $3  }
0x1: {  	(tag) =	ssettag $0x0;
	lr =	simm.s32 $0x1  }
0x2: {  	[smem:$0x3F9C] =	sst lr;
	_ =	strace $0xD0000000  }
0x3: {  	_ = 	snop  }
0x4: {  	_ = 	snop  }
0x5: {  	_ = 	snop  }
0x6: {  	_ = 	snop  }
0x7: {  	_ = 	snop  }
__scs_overlays_trampoline_lowered:
0x8: {  	[smem:$0x3FAB] =	sst s0  }
0x9: {  	[smem:$0x3FAC] =	sst s1  }
0xa: {  	[smem:$0x3FAD] =	sst s2  }
0xb: {  	[smem:$0x3FAE] =	sst s3  }
0xc: {  	[smem:$0x3FAF] =	sst s4  }
0xd: {  	[smem:$0x3FB0] =	sst s5  }
0xe: {  	[smem:$0x3FB1] =	sst s6  }
0xf: {  	[smem:$0x3FB2] =	sst s7  }
0x10: {  	[smem:$0x3FB3] =	sst s8  }
0x11: {  	[smem:$0x3FB4] =	sst s9;
	s0 =	simm.s32 @!p0 $0x0  }
0x12: {  	s1 =	sld [smem:$0x3F9A];
	s0 =	simm.s32 @p0 $0x1  }
0x13: {  	[smem:$0x3FB5] =	sst s0;
	s0 =	simm.s32 @!p1 $0x0  }
0x14: {  	s2 =	sld [smem:$0x3F99];
	s0 =	simm.s32 @p1 $0x1  }
0x15: {  	[smem:$0x3FB6] =	sst s0;
	s0 =	simm.s32 @!p2 $0x0  }
0x16: {  	s3 =	sld [smem:$0x3FDB];
	s0 =	simm.s32 @p2 $0x1  }
0x17: {  	s4 =	simm.s32 $0x1BF5;
	[smem:$0x3FB8] =	sst s0  }
0x18: {  	s0 =	sld [smem:$0x3F9B];
	_ =	swait.ge [sflag:s4], $0x0  }
0x19: {  	s7 =	sld [smem:$0x3F9C]  }
0x1a: {  	s8 =	sadd.s32 $0xFFFFE003, lr  }
0x1b: {  	s9 =	sadd.s32 $0xFFFFFEF7, lr;
	s5 =	simm.s32 $0xFFFFFFFF;
	p2 =	slt.u32 s8, $0xFFFFF086  }
0x1c: {  	p1 =	slt.u32 s9, $0xF7A;
	s5 =	simm.s32 @!p2 $0x0  }
0x1d: {  	s5 =	simm.s32 @p1 $0x1;
	p0 =	seq.s32 s7, s2  }
0x1e: {  	s7 =	smul.u32 @!p0 $0xF7A, s2;
	p2 =	seq.s32 @!p0 s5, $0x0  }
0x1f: {  	s9 =	smul.u32 $0xF7A, s1;
	s8 =	simm.s32 @!p0 $0x1BF5;
	p2 =	por !p2, p0  }
0x20: {  	[sflag:s8] =	ssyncset.s32 @!p0 $0xFFFFF086;
	s6 =	sadd.s32 @!p0 s3, s7;
	s7 =	simm.s32 @!p0 $0x108  }
0x21: {  	s3 =	sadd.s32 s3, s9;
	s6 =	sadd.s32 @!p0 $0x88, s6;
	s7 =	simm.s32 @p2 $0x1082  }
0x22: {  	[simem:s7], [sflag:s8] =	dma.local @!p0 [hbm:s6], $0xF7A  }
0x23: {  	s9 =	sor.u32 $0xD0000000, s2;
	s6 =	simm.s32 $0x108;
	_ =	swait.ge @!p0 [sflag:s8], $0x0  }
0x24: {  	s3 =	sadd.s32 $0x88, s3;
	s6 =	simm.s32 @!p1 $0x1082;
	[sflag:s4] =	ssyncset.s32 $0xFFFFF086  }
0x25: {  	[simem:s6], [sflag:s4] =	dma.local [hbm:s3], $0xF7A  }
0x26: {  	[smem:$0x3F9C] =	sst s1;
	(tag) =	ssettag s2;
	_ =	strace s9  }
0x27: {  	s1 =	sld [smem:$0x3FAC]  }
0x28: {  	s2 =	sld [smem:$0x3FAD]  }
0x29: {  	s4 =	sld [smem:$0x3FAF]  }
0x2a: {  	p0 =	seq.s32 s5, $0x0;
	s5 =	sld [smem:$0x3FB0]  }
0x2b: {  	s6 =	sld [smem:$0x3FB1]  }
0x2c: {  	s7 =	sld [smem:$0x3FB2]  }
0x2d: {  	s3 =	simm.s32 $0x108;
	s8 =	sld [smem:$0x3FB3]  }
0x2e: {  	s3 =	simm.s32 @!p0 $0x1082;
	s9 =	sld [smem:$0x3FB4]  }
0x2f: {  	lr =	sadd.s32 s0, s3;
	s0 =	sld [smem:$0x3FAB]  }
0x30: {  	s3 =	sld [smem:$0x3FAE]  }
0x31: {  	[smem:$0x3FB7] =	sst s10  }
0x32: {  	s10 =	sld [smem:$0x3FB5];
	_ =	sdelay $0x3  }
0x33: {  	p0 =	seq.s32 s10, $0x1;
	s10 =	sld [smem:$0x3FB7];
	_ =	sdelay $0x3  }
0x34: {  	[smem:$0x3FB7] =	sst s10  }
0x35: {  	s10 =	sld [smem:$0x3FB6];
	_ =	sdelay $0x3  }
0x36: {  	p1 =	seq.s32 s10, $0x1;
	s10 =	sld [smem:$0x3FB7];
	_ =	sdelay $0x3  }
0x37: {  	[smem:$0x3FB7] =	sst s10  }
0x38: {  	s10 =	sld [smem:$0x3FB8]  }
0x39: {  	_ = 	snop;
	(pc) =	sbr.ind lr, $3  }
0x3a: {  	_ = 	snop  }
0x3b: {  	_ = 	snop  }
0x3c: {  	p2 =	seq.s32 s10, $0x1;
	s10 =	sld [smem:$0x3FB7]  }
0x3d: {  	_ =	shalt  }
0x3e: {  	_ =	shalt  }
0x3f: {  	_ =	shalt  }
0x40: {  	_ =	shalt  }
0x41: {  	_ =	shalt  }
0x42: {  	_ =	shalt  }
0x43: {  	_ =	shalt  }
0x44: {  	_ =	shalt  }
0x45: {  	_ =	shalt  }
0x46: {  	_ =	shalt  }
0x47: {  	_ =	shalt  }
0x48: {  	_ =	shalt  }
0x49: {  	_ =	shalt  }
0x4a: {  	_ =	shalt  }
0x4b: {  	_ =	shalt  }
0x4c: {  	_ =	shalt  }
0x4d: {  	_ =	shalt  }
0x4e: {  	_ =	shalt  }
0x4f: {  	_ =	shalt  }
0x50: {  	_ =	shalt  }
0x51: {  	_ =	shalt  }
0x52: {  	_ =	shalt  }
0x53: {  	_ =	shalt  }
0x54: {  	_ =	shalt  }
0x55: {  	_ =	shalt  }
0x56: {  	_ =	shalt  }
0x57: {  	_ =	shalt  }
0x58: {  	_ =	shalt  }
0x59: {  	_ =	shalt  }
0x5a: {  	_ =	shalt  }
0x5b: {  	_ =	shalt  }
0x5c: {  	_ =	shalt  }
0x5d: {  	_ =	shalt  }
0x5e: {  	_ =	shalt  }
0x5f: {  	_ =	shalt  }
0x60: {  	_ =	shalt  }
0x61: {  	_ =	shalt  }
0x62: {  	_ =	shalt  }
0x63: {  	_ =	shalt  }
0x64: {  	_ =	shalt  }
0x65: {  	_ =	shalt  }
0x66: {  	_ =	shalt  }
0x67: {  	_ =	shalt  }
0x68: {  	_ =	shalt  }
0x69: {  	_ =	shalt  }
0x6a: {  	_ =	shalt  }
0x6b: {  	_ =	shalt  }
0x6c: {  	_ =	shalt  }
0x6d: {  	_ =	shalt  }
0x6e: {  	_ =	shalt  }
0x6f: {  	_ =	shalt  }
0x70: {  	_ =	shalt  }
0x71: {  	_ =	shalt  }
0x72: {  	_ =	shalt  }
0x73: {  	_ =	shalt  }
0x74: {  	_ =	shalt  }
0x75: {  	_ =	shalt  }
0x76: {  	_ =	shalt  }
0x77: {  	_ =	shalt  }
0x78: {  	_ =	shalt  }
0x79: {  	_ =	shalt  }
0x7a: {  	_ =	shalt  }
0x7b: {  	_ =	shalt  }
0x7c: {  	_ =	shalt  }
0x7d: {  	_ =	shalt  }
0x7e: {  	_ =	shalt  }
0x7f: {  	_ =	shalt  }
0x80: {  	_ =	shalt  }
0x81: {  	_ =	shalt  }
0x82: {  	_ =	shalt  }
0x83: {  	_ =	shalt  }
0x84: {  	_ =	shalt  }
0x85: {  	_ =	shalt  }
0x86: {  	_ =	shalt  }
0x87: {  	_ =	shalt  }
.Lfunc_end0:
.L_simem_size_0:
called_computation.1_lowered:
.L_overlay_start_0:
0x88: {  	s2 =	sld [smem:$0x3FD9]  }
0x89: {  	s3 =	sld [smem:$0x3FFE];
	_ =	sdelay $0x1  }
0x8a: {  	s1 =	srdreg.scid  }
0x8b: {  	s0 =	sand.u32 $0x1, s1  }
0x8c: {  	s16 =	sshll.u32 s0, $0xA;
	s2 =	sadd.s32 s3, s2  }
0x8d: {  	s2 =	sadd.s32 s2, s16  }
0x8e: {  	[smem:$0x3FC3] =	sst s2  }
0x8f: {  	_ = 	snop  }
0x90: {  	(tm) =	ssettm $0x1  }
0x91: {  	s17 =	sld [smem:$0x3FFB];
	_ =	sdelay $0x3  }
0x92: {  	_ =	strace s17  }
0x93: {  	s2 =	sld [smem:$0x3FFC];
	_ =	sdelay $0x3  }
0x94: {  	_ =	strace s2  }
0x95: {  	s2 =	sld [smem:$0x3FFD];
	_ =	sdelay $0x3  }
0x96: {  	_ =	strace s2  }
0x97: {  	_ =	strace $0x8FFFFFFF  }
0x98: {  	s18 =	sld [smem:$0x3FDB];
	_ =	sdelay $0x1  }
0x99: {  	s19 =	simm.s32 $_scs_section_size  }
0x9a: {  	s4 =	simm.s32 $_size__tile_overlayer_lowered;
	s5 =	simm.s32 $_tile_overlayer_lowered  }
0x9b: {  	s22 =	simm.s32 $0x1BFF;
	s21 =	sshll.u32 s5, $0x1;
	s2 =	sadd.s32 s19, s18  }
0x9c: {  	s6 =	simm.s32 $0x0;
	s20 =	sshll.u32 s4, $0x1;
	s4 =	sadd.s32 s21, s2  }
0x9d: {  	[timem:s6], [sflag:s22] =	dma.local [hbm:s4], s20  }
0x9e: {  	_ =	swait.ge [sflag:s22], s20  }
0x9f: {  	s3 =	ssub.s32 $0x0, s20;
	[sflag:s22] =	ssyncset.done $0x0  }
0xa0: {  	[sflag:s22] =	ssyncadd.s32 s3;
	_ =	sdelay $0x1  }
0xa1: {  	s23 =	simm.s32 $0x1B8B  }
0xa2: {  	_ =	swait.ge [sflag:s23], $0x1  }
0xa3: {  	[sflag:s23] =	ssyncset.done $0x0  }
0xa4: {  	s25 =	simm.s32 $0x1B8E;
	s24 =	sld [smem:$0x3FFE];
	[sflag:s23] =	ssyncadd.s32 $0xFFFFFFFF  }
0xa5: {  	s26 =	simm.s32 $execute0_lowered;
	[smem:$0x3FD2] =	sst s25  }
0xa6: {  	s4 =	sshll.u32 s26, $0x1;
	_ =	strace $0x80000049;
	[dreg:$0x1] =	wrdreg $0xFFFFFFFF  }
0xa7: {  	s28 =	simm.s32 $_size_execute0_lowered;
	s2 =	sadd.s32 s2, s4;
	[dreg:$0x0] =	wrdreg $0x0  }
0xa8: {  	s4 =	sshll.u32 s28, $0x1;
	[dreg:$0x2] =	wrdreg s2  }
0xa9: {  	[dreg:$0x3] =	wrdreg s4  }
0xaa: {  	[dreg:$0x4] =	wrdreg $0xC0  }
0xab: {  	_ =	task [dreg:s6], $0x5FFFF  }
0xac: {  	[dreg:$0x1] =	wrdreg $0xFFFFFFFF  }
0xad: {  	[dreg:$0x0] =	wrdreg $0x60  }
0xae: {  	[dreg:$0x2] =	wrdreg s24  }
0xaf: {  	[dreg:$0x3] =	wrdreg $0x9  }
0xb0: {  	_ =	task.clear_ibuf [dreg:s6], $0x4FFFF;
	_ =	strace $0x90000049  }
0xb1: {  	s29 =	simm.s32 $0x9;
	_ =	strace $0x8000004B  }
0xb2: {  	_ =	swait.ge [sflag:s29], $0x1  }
0xb3: {  	[sflag:s29] =	ssyncadd.s32 $0xFFFFFFFF  }
0xb4: {  	_ =	strace $0x9000004B  }
0xb5: {  	_ =	sfence  }
0xb6: {  	s30 =	sld [smem:$0x0];
	_ =	sdelay $0x2  }
0xb7: {  	s31 =	sshll.u32 s1, $0xD;
	s1 =	sshrl.u32 s1, $0x2  }
0xb8: {  	s3 =	sand.u32 $0x4000, s31;
	s1 =	sadd.s32 s1, s30  }
0xb9: {  	s0 =	sor.u32 s3, s0;
	s1 =	sshll.u32 s1, $0x11  }
0xba: {  	s0 =	sor.u32 s1, s0  }
0xbb: {  	s0 =	sadd.s32 $0x8F2B, s0  }
0xbc: {  	[sflag:s0] =	ssyncadd.remote.s32 $0x1  }
0xbd: {  	_ =	sfence.sel $0xFFFF  }
0xbe: {  	[dreg:$0x0] =	wrdreg $0xFFFFFFFF;
	(pc) =	sbr.abs _section_cstart, $3  }
0xbf: {  	[dreg:$0x1] =	wrdreg $0xFFFFFFFF  }
0xc0: {  	_ =	task.clear_ibuf [dreg:s6], $0x2FFFF;
	_ =	strace $0x9FFFFFFF  }
0xc1: {  	(tm) =	ssettm $0x7FFFFFFF  }
tec
execute0_lowered:
.L_overlay_start_1:
0x0: {  	(tag) =	ssettag $0x1  }
0x1: {  	s1 =	srdreg.scid  }
0x2: {  	s0 =	stileid.u32;
	s4 =	rddreg [dreg:$0x0];
	s2 =	simm.s32 $0x0  }
0x3: {  	s9 =	simm.s32 $0x400;
	s10 =	simm.s32 $0x1;
	s11 =	simm.s32 $0x14000  }
0x4: {  	s12 =	simm.s32 $0x19000;
	s3 =	sand.u32 $0x1, s1;
	s5 =	smul.u32 $0x14000, s0  }
0x5: {  	s13 =	simm.s32 $0xA000;
	s1 =	rddreg [dreg:$0x1];
	s6 =	sshll.u32 s3, $0x9  }
0x6: {  	s14 =	simm.s32 $0x0;
	[smem:$0x7FF] =	sst s2;
	s5 =	sor.u32 s6, s5  }
0x7: {  	_ =	strace $0x8000004A;
	s30 =	ssub.s32 $0x2, s3;
	s5 =	sshrl.u32 s5, $0x3  }
0x8: {  	s3 =	sadd.s32 $0x2200, s4;
	s31 =	sshrl.u32 s30, $0x1;
	s7 =	sadd.s32 s5, s4  }
0x9: {  	s8 =	ssub.s32 s30, s31;
	s4 =	sadd.s32 $0x2A200, s4;
	s5 =	sadd.s32 $0x52200, s7  }
0xa: {  	v0 =	vimm.f32 $0.0e+00;
	s6 =	sadd.s32 $0x7A200, s7;
	s7 =	smax.u32 s8, $0x1;
	s8 =	simm.s32 $0x200  }
.LBB2_1:
0xb: {  	[tilespmem:s2], [sflag:$0x1] =	stream.strided.gather [hbm4b:s5+s8], $0xA000, s9, s8, $0x38;
	[tilespmem:$0x1E000] =	vst v63  }
0xc: {  	_ =	swait.ge [sflag:s10], $0xA000  }
0xd: {  	s15 =	sand.u32 $0x70, s2;
	s16 =	sand.u32 $0xFE00, s2;
	[sflag:s10] =	ssyncset.done $0x0  }
0xe: {  	s16 =	sor.u32 s15, s16;
	[sflag:s10] =	ssyncadd.s32 $0xFFFF6000  }
0xf: {  	s17 =	simm.s32 $0x0;
	s15 =	simm.s32 $0x10;
	[tilespmem:s16+$0xA000] =	vst v0  }
.LBB2_2:
0x10: {  	p0 =	sne.s32 s15, $0x27F0  }
.Ltmp0:
0x11: {  	_ = 	snop;
	(pc) =	sbr.rel @p0 .LBB2_2-.Ltmp0, $4  }
0x12: {  	s17 =	sadd.s32 $0x40, s17  }
0x13: {  	s16 =	sand.u32 $0x70, s15;
	s18 =	sand.u32 $0xFE00, s17  }
0x14: {  	s16 =	sor.u32 s16, s18  }
0x15: {  	s15 =	sadd.s32 $0x10, s15;
	[tilespmem:s16+$0xA000] =	vst v0;
	s16 =	simm.s32 $0x0  }
0x16: {  	s15 =	sand.u32 $0x70, s16;
	s17 =	sand.u32 $0xFE00, s16  }
0x17: {  	s15 =	sor.u32 s15, s17  }
0x18: {  	s18 =	simm.s32 $0x0;
	s17 =	simm.s32 $0x10;
	[tilespmem:s15+$0xA080] =	vst v0  }
.LBB2_4:
0x19: {  	p0 =	sne.s32 s17, $0x27F0  }
.Ltmp1:
0x1a: {  	_ = 	snop;
	(pc) =	sbr.rel @p0 .LBB2_4-.Ltmp1, $4  }
0x1b: {  	s18 =	sadd.s32 $0x40, s18  }
0x1c: {  	s19 =	sand.u32 $0x70, s17;
	s20 =	sand.u32 $0xFE00, s18  }
0x1d: {  	s19 =	sor.u32 s19, s20  }
0x1e: {  	s17 =	sadd.s32 $0x10, s17;
	[tilespmem:s19+$0xA080] =	vst v0  }
0x1f: {  	s17 =	simm.s32 $0x10;
	[tilespmem:s15+$0xA100] =	vst v0  }
.LBB2_6:
0x20: {  	p0 =	sne.s32 s17, $0x27F0  }
.Ltmp2:
0x21: {  	_ = 	snop;
	(pc) =	sbr.rel @p0 .LBB2_6-.Ltmp2, $4  }
0x22: {  	s16 =	sadd.s32 $0x40, s16  }
0x23: {  	s15 =	sand.u32 $0x70, s17;
	s18 =	sand.u32 $0xFE00, s16  }
0x24: {  	s15 =	sor.u32 s15, s18  }
0x25: {  	s17 =	sadd.s32 $0x10, s17;
	[tilespmem:s15+$0xA100] =	vst v0;
	s15 =	simm.s32 $0x0  }
0x26: {  	s16 =	sand.u32 $0x70, s15;
	s17 =	sand.u32 $0xFE00, s15  }
0x27: {  	s17 =	sor.u32 s16, s17  }
0x28: {  	s16 =	simm.s32 $0x10;
	[tilespmem:s17+$0xA180] =	vst v0;
	s17 =	simm.s32 $0x0  }
.LBB2_8:
0x29: {  	p0 =	sne.s32 s16, $0x27F0  }
.Ltmp3:
0x2a: {  	_ = 	snop;
	(pc) =	sbr.rel @p0 .LBB2_8-.Ltmp3, $4  }
0x2b: {  	s17 =	sadd.s32 $0x40, s17  }
0x2c: {  	s18 =	sand.u32 $0x70, s16;
	s19 =	sand.u32 $0xFE00, s17  }
0x2d: {  	s18 =	sor.u32 s18, s19  }
0x2e: {  	s16 =	sadd.s32 $0x10, s16;
	[tilespmem:s18+$0xA180] =	vst v0  }
0x2f: {  	s16 =	simm.s32 $0x0  }
.LBB2_10:
0x30: {  	s17 =	smul.u32 $0xA00, s16;
	_ =	sdelay $0x1  }
0x31: {  	s19 =	simm.s32 $0x0;
	s18 =	sadd.s32 s3, s17  }
0x32: {  	[tilespmem:s11], [sflag:$0x1] =	stream.linear.gather [hbm4b:s18+s19], $0x5000, $0x38;
	[tilespmem:$0x1E000] =	vst v63  }
0x33: {  	_ =	swait.ge [sflag:s10], $0x5000  }
0x34: {  	[sflag:s10] =	ssyncset.done $0x0  }
0x35: {  	s17 =	sadd.s32 s4, s17;
	[sflag:s10] =	ssyncadd.s32 $0xFFFFB000  }
0x36: {  	[tilespmem:s12], [sflag:$0x1] =	stream.linear.gather [hbm4b:s17+s19], $0x5000, $0x38;
	[tilespmem:$0x1E000] =	vst v63  }
0x37: {  	v1 =	vmov s15;
	_ =	swait.ge [sflag:s10], $0x5000  }
0x38: {  	v2 =	vshll.u32 v1, $0x2;
	[sflag:s10] =	ssyncset.done $0x0  }
0x39: {  	s31 =	simm.s32 $0x0;
	v1 =	vand.u32 $0x7F, v1;
	v2 =	vand.u32 $0x1FE00, v2;
	[sflag:s10] =	ssyncadd.s32 $0xFFFFB000  }
0x3a: {  	v1 =	vor.u32 v1, v2;
	v2 =	vld [tilespmem:s31+$0x14000]  }
0x3b: {  	v3 =	vor.u32 $0x80, v1  }
0x3c: {  	v4 =	vor.u32 $0x100, v1  }
0x3d: {  	v5 =	vor.u32 $0x180, v1  }
0x3e: {  	v6 =	vld [tilespmem:s31+$0x19000]  }
0x3f: {  	v1 =	vld.idx.msk [tilespmem:v1+s2+$0x0], $0xffff;
	v7 =	vshll.u32 v2, $0x2  }
0x40: {  	v3 =	vld.idx.msk [tilespmem:v3+s2+$0x0], $0xffff;
	vm0 =	vne.s32 v2, $0x2710;
	v2 =	vand.u32 $0x7F, v2;
	v7 =	vand.u32 $0xFFFFFE00, v7  }
0x41: {  	v4 =	vld.idx.msk [tilespmem:v4+s2+$0x0], $0xffff;
	v2 =	vor.u32 v2, v7  }
0x42: {  	v5 =	vld.idx.msk [tilespmem:v5+s2+$0x0], $0xffff;
	v7 =	vor.u32 $0x80, v2  }
0x43: {  	v8 =	vor.u32 $0x100, v2  }
0x44: {  	v9 =	vmul.f32 v6, v1;
	v10 =	vor.u32 $0x180, v2  }
0x45: {  	v11 =	vmul.f32 v6, v3  }
0x46: {  	[tilespmem:v2+s13+$0x0] =	vst.idx.add.f32.msk vm0, v9;
	v2 =	vmul.f32 v6, v4  }
0x47: {  	v6 =	vmul.f32 v6, v5;
	[tilespmem:v7+s13+$0x0] =	vst.idx.add.f32.msk vm0, v11  }
0x48: {  	[tilespmem:v8+s13+$0x0] =	vst.idx.add.f32.msk vm0, v2  }
0x49: {  	[tilespmem:v10+s13+$0x0] =	vst.idx.add.f32.msk vm0, v6  }
0x4a: {  	v2 =	vld [tilespmem:s31+$0x14010];
	_ =	sdelay $0x4  }
0x4b: {  	v6 =	vld [tilespmem:s31+$0x19010];
	v7 =	vshll.u32 v2, $0x2  }
0x4c: {  	vm0 =	vne.s32 v2, $0x2710;
	v2 =	vand.u32 $0x7F, v2;
	v7 =	vand.u32 $0xFFFFFE00, v7  }
0x4d: {  	v2 =	vor.u32 v2, v7;
	_ =	sdelay $0x2  }
0x4e: {  	v1 =	vmul.f32 v6, v1;
	v7 =	vor.u32 $0x80, v2  }
0x4f: {  	v61 =	vor.u32 $0x100, v2  }
0x50: {  	[tilespmem:v2+s13+$0x0] =	vst.idx.add.f32.msk vm0, v1;
	v1 =	vor.u32 $0x180, v2  }
0x51: {  	s18 =	sadd.s32 $0x1, s15;
	v3 =	vmul.f32 v6, v3  }
0x52: {  	v62 =	vmul.f32 v6, v4;
	v4 =	vmov s18  }
0x53: {  	v63 =	vshll.u32 v4, $0x2;
	v2 =	vmul.f32 v6, v5;
	[tilespmem:v7+s13+$0x0] =	vst.idx.add.f32.msk vm0, v3  }
0x54: {  	s17 =	simm.s32 $0x80;
	s19 =	simm.s32 $0x400;
	v3 =	vand.u32 $0x7F, v4;
	v4 =	vand.u32 $0x1FE00, v63;
	[tilespmem:v61+s13+$0x0] =	vst.idx.add.f32.msk vm0, v62  }
.LBB2_11:
0x55: {  	s20 =	sshra.s32 s19, $0x2;
	p0 =	sne.s32 s19, $0x13E00;
	s19 =	sadd.s32 $0x200, s19;
	v3 =	vor.u32 v3, v4;
	[tilespmem:v1+s13+$0x0] =	vst.idx.add.f32.msk vm0, v2  }
0x56: {  	v1 =	vor.u32 $0x80, v3;
	v2 =	vor.u32 $0x100, v3;
	v4 =	vor.u32 $0x180, v3;
	v5 =	vld [tilespmem:s17+$0x14000];
	_ =	sdelay $0x2  }
0x57: {  	v6 =	vld [tilespmem:s17+$0x19000]  }
0x58: {  	v3 =	vld.idx.msk [tilespmem:v3+s2+$0x0], $0xffff  }
0x59: {  	v1 =	vld.idx.msk [tilespmem:v1+s2+$0x0], $0xffff;
	v7 =	vshll.u32 v5, $0x2  }
0x5a: {  	vm0 =	vne.s32 v5, $0x2710;
	v5 =	vand.u32 $0x7F, v5;
	v2 =	vld.idx.msk [tilespmem:v2+s2+$0x0], $0xffff;
	v7 =	vand.u32 $0xFFFFFE00, v7  }
0x5b: {  	v4 =	vld.idx.msk [tilespmem:v4+s2+$0x0], $0xffff;
	v5 =	vor.u32 v5, v7  }
0x5c: {  	v7 =	vor.u32 $0x80, v5  }
0x5d: {  	v8 =	vor.u32 $0x100, v5  }
0x5e: {  	v10 =	vor.u32 $0x180, v5;
	v9 =	vmul.f32 v6, v3  }
0x5f: {  	v11 =	vmul.f32 v6, v1  }
0x60: {  	[tilespmem:v5+s13+$0x0] =	vst.idx.add.f32.msk vm0, v9;
	v5 =	vmul.f32 v6, v2  }
0x61: {  	v6 =	vmul.f32 v6, v4;
	[tilespmem:v7+s13+$0x0] =	vst.idx.add.f32.msk vm0, v11  }
0x62: {  	[tilespmem:v8+s13+$0x0] =	vst.idx.add.f32.msk vm0, v5  }
0x63: {  	[tilespmem:v10+s13+$0x0] =	vst.idx.add.f32.msk vm0, v6  }
0x64: {  	v5 =	vld [tilespmem:s17+$0x14010];
	_ =	sdelay $0x4  }
0x65: {  	v6 =	vld [tilespmem:s17+$0x19010];
	v7 =	vshll.u32 v5, $0x2;
	s17 =	smov.u32 s20  }
0x66: {  	vm0 =	vne.s32 v5, $0x2710;
	v5 =	vand.u32 $0x7F, v5;
	v7 =	vand.u32 $0xFFFFFE00, v7  }
0x67: {  	v5 =	vor.u32 v5, v7  }
0x68: {  	v7 =	vor.u32 $0x80, v5  }
0x69: {  	v8 =	vor.u32 $0x100, v5  }
.Ltmp4:
0x6a: {  	v3 =	vmul.f32 v6, v3;
	v9 =	vmul.f32 v6, v1;
	v1 =	vor.u32 $0x180, v5;
	(pc) =	sbr.rel @p0 .LBB2_11-.Ltmp4, $4  }
0x6b: {  	s18 =	sadd.s32 $0x1, s18;
	v10 =	vmul.f32 v6, v2;
	v2 =	vmul.f32 v6, v4  }
0x6c: {  	v4 =	vmov s18;
	[tilespmem:v5+s13+$0x0] =	vst.idx.add.f32.msk vm0, v3  }
0x6d: {  	v5 =	vshll.u32 v4, $0x2;
	[tilespmem:v7+s13+$0x0] =	vst.idx.add.f32.msk vm0, v9  }
0x6e: {  	v3 =	vand.u32 $0x7F, v4;
	v4 =	vand.u32 $0x1FE00, v5;
	[tilespmem:v8+s13+$0x0] =	vst.idx.add.f32.msk vm0, v10  }
0x6f: {  	_ =	sdelay $0x4  }
0x70: {  	[tilespmem:v1+s13+$0x0] =	vst.idx.add.f32.msk vm0, v2  }
0x71: {  	v1 =	vor.u32 v3, v4;
	v2 =	vld [tilespmem:s17+$0x14000]  }
0x72: {  	v3 =	vor.u32 $0x80, v1  }
0x73: {  	v4 =	vor.u32 $0x100, v1  }
0x74: {  	v5 =	vor.u32 $0x180, v1  }
0x75: {  	v6 =	vld [tilespmem:s17+$0x19000]  }
0x76: {  	v1 =	vld.idx.msk [tilespmem:v1+s2+$0x0], $0xffff;
	v7 =	vshll.u32 v2, $0x2  }
0x77: {  	v3 =	vld.idx.msk [tilespmem:v3+s2+$0x0], $0xffff;
	vm14 =	vne.s32 v2, $0x2710;
	v2 =	vand.u32 $0x7F, v2;
	v7 =	vand.u32 $0xFFFFFE00, v7  }
0x78: {  	v4 =	vld.idx.msk [tilespmem:v4+s2+$0x0], $0xffff;
	v2 =	vor.u32 v2, v7  }
0x79: {  	v5 =	vld.idx.msk [tilespmem:v5+s2+$0x0], $0xffff;
	v7 =	vor.u32 $0x80, v2  }
0x7a: {  	v8 =	vor.u32 $0x100, v2  }
0x7b: {  	v10 =	vor.u32 $0x180, v2;
	v9 =	vmul.f32 v6, v1  }
0x7c: {  	v11 =	vmul.f32 v6, v3  }
0x7d: {  	[tilespmem:v2+s13+$0x0] =	vst.idx.add.f32.msk vm14, v9;
	v2 =	vmul.f32 v6, v4  }
0x7e: {  	v6 =	vmul.f32 v6, v5;
	[tilespmem:v7+s13+$0x0] =	vst.idx.add.f32.msk vm14, v11  }
0x7f: {  	[tilespmem:v8+s13+$0x0] =	vst.idx.add.f32.msk vm14, v2  }
0x80: {  	[tilespmem:v10+s13+$0x0] =	vst.idx.add.f32.msk vm14, v6  }
0x81: {  	v2 =	vld [tilespmem:s17+$0x14010];
	_ =	sdelay $0x4  }
0x82: {  	v6 =	vld [tilespmem:s17+$0x19010];
	v61 =	vshll.u32 v2, $0x2  }
0x83: {  	vm15 =	vne.s32 v2, $0x2710;
	v2 =	vand.u32 $0x7F, v2;
	v7 =	vand.u32 $0xFFFFFE00, v61  }
0x84: {  	v2 =	vor.u32 v2, v7  }
0x85: {  	v7 =	vor.u32 $0x80, v2  }
0x86: {  	s16 =	sadd.s32 $0x1, s16;
	v62 =	vor.u32 $0x100, v2  }
0x87: {  	p0 =	sne.s32 s16, $0x40;
	v1 =	vmul.f32 v6, v1;
	v63 =	vor.u32 $0x180, v2  }
.Ltmp5:
0x88: {  	v3 =	vmul.f32 v6, v3;
	(pc) =	sbr.rel @p0 .LBB2_10-.Ltmp5, $4  }
0x89: {  	v4 =	vmul.f32 v6, v4;
	[tilespmem:v2+s13+$0x0] =	vst.idx.add.f32.msk vm15, v1  }
0x8a: {  	v1 =	vmul.f32 v6, v5;
	[tilespmem:v7+s13+$0x0] =	vst.idx.add.f32.msk vm15, v3  }
0x8b: {  	[tilespmem:v62+s13+$0x0] =	vst.idx.add.f32.msk vm15, v4  }
0x8c: {  	s15 =	sadd.s32 $0xA0, s15;
	[tilespmem:v63+s13+$0x0] =	vst.idx.add.f32.msk vm15, v1  }
0x8d: {  	s14 =	sadd.s32 $0x1, s14  }
0x8e: {  	p0 =	sne.s32 s14, s7  }
.Ltmp6:
0x8f: {  	_ = 	snop;
	(pc) =	sbr.rel @p0 .LBB2_1-.Ltmp6, $4  }
0x90: {  	[hbm4b:s6+s8] =	stream.strided.scatter [tilespmem:s13], [sflag:$0x1], $0xA000, s9, s8, $0x38;
	[tilespmem:$0x1E000] =	vst v63  }
0x91: {  	_ =	swait.ge [sflag:s10], $0xA000  }
0x92: {  	[sflag:s10] =	ssyncset.done $0x0  }
0x93: {  	[sflag:s10] =	ssyncadd.s32 $0xFFFF6000  }
0x94: {  	_ =	sfence.sel $0x180000  }
0x95: {  	[bflag:$0x0] =	sbarrier.arrive $0xFFFF  }
0x96: {  	p0 =	sne.s32 s0, $0x0;
	_ =	strace $0x9000004A  }
0x97: {  	s0 =	sadd.s32 @!p0 $0x100000, s1;
	[bflag:$0x2] =	sbarrier.arrive $0xFFFF  }
0x98: {  	[sflag:s0] =	ssyncadd.tile.s32 @!p0 $0x1;
	_ =	shalt  }
.Lfunc_end2:
_tile_overlayer_lowered:
.L_overlay_start_2:
0x99: {  	(tag) =	ssettag $0x2  }
0x9a: {  	s0 =	rddreg [dreg:$0x0];
	s2 =	stileid.u32  }
0x9b: {  	s1 =	rddreg [dreg:$0x1];
	p0 =	sne.s32 s2, $0x0  }
0x9c: {  	s3 =	rddreg [dreg:$0x2];
	[bflag:$0x3] =	sbarrier.arrive $0xFFFF;
	s2 =	simm.s32 @!p0 $0x1C01  }
0x9d: {  	[timem:s3], [sflag:s2] =	dma.local @!p0 [hbm:s0], s1  }
0x9e: {  	s0 =	simm.s32 @!p0 $0x1  }
0x9f: {  	_ =	swait.ge @!p0 [sflag:s0], s1  }
0xa0: {  	s1 =	ssub.s32 @!p0 $0x0, s1;
	[sflag:s0] =	ssyncset.done @!p0 $0x0  }
0xa1: {  	[sflag:s0] =	ssyncadd.s32 @!p0 s1  }
0xa2: {  	[bflag:$0x3] =	sbarrier.arrive $0xFFFF  }
0xa3: {  	_ =	shalt  }

// kernel: kernel.18.cloned.1.call-start
scs
__scs_entry_jumppad:
0x0: {  	(pc) =	sbr.rel $0x88, $3  }
0x1: {  	(tag) =	ssettag $0x0;
	lr =	simm.s32 $0x1  }
0x2: {  	[smem:$0x3F9C] =	sst lr;
	_ =	strace $0xD0000000  }
0x3: {  	_ = 	snop  }
0x4: {  	_ = 	snop  }
0x5: {  	_ = 	snop  }
0x6: {  	_ = 	snop  }
0x7: {  	_ = 	snop  }
__scs_overlays_trampoline_lowered:
0x8: {  	[smem:$0x3FAB] =	sst s0  }
0x9: {  	[smem:$0x3FAC] =	sst s1  }
0xa: {  	[smem:$0x3FAD] =	sst s2  }
0xb: {  	[smem:$0x3FAE] =	sst s3  }
0xc: {  	[smem:$0x3FAF] =	sst s4  }
0xd: {  	[smem:$0x3FB0] =	sst s5  }
0xe: {  	[smem:$0x3FB1] =	sst s6  }
0xf: {  	[smem:$0x3FB2] =	sst s7  }
0x10: {  	[smem:$0x3FB3] =	sst s8  }
0x11: {  	[smem:$0x3FB4] =	sst s9;
	s0 =	simm.s32 @!p0 $0x0  }
0x12: {  	s1 =	sld [smem:$0x3F9A];
	s0 =	simm.s32 @p0 $0x1  }
0x13: {  	[smem:$0x3FB5] =	sst s0;
	s0 =	simm.s32 @!p1 $0x0  }
0x14: {  	s2 =	sld [smem:$0x3F99];
	s0 =	simm.s32 @p1 $0x1  }
0x15: {  	[smem:$0x3FB6] =	sst s0;
	s0 =	simm.s32 @!p2 $0x0  }
0x16: {  	s3 =	sld [smem:$0x3FDB];
	s0 =	simm.s32 @p2 $0x1  }
0x17: {  	s4 =	simm.s32 $0x1BF5;
	[smem:$0x3FB8] =	sst s0  }
0x18: {  	s0 =	sld [smem:$0x3F9B];
	_ =	swait.ge [sflag:s4], $0x0  }
0x19: {  	s7 =	sld [smem:$0x3F9C]  }
0x1a: {  	s8 =	sadd.s32 $0xFFFFE003, lr  }
0x1b: {  	s9 =	sadd.s32 $0xFFFFFEF7, lr;
	s5 =	simm.s32 $0xFFFFFFFF;
	p2 =	slt.u32 s8, $0xFFFFF086  }
0x1c: {  	p1 =	slt.u32 s9, $0xF7A;
	s5 =	simm.s32 @!p2 $0x0  }
0x1d: {  	s5 =	simm.s32 @p1 $0x1;
	p0 =	seq.s32 s7, s2  }
0x1e: {  	s7 =	smul.u32 @!p0 $0xF7A, s2;
	p2 =	seq.s32 @!p0 s5, $0x0  }
0x1f: {  	s9 =	smul.u32 $0xF7A, s1;
	s8 =	simm.s32 @!p0 $0x1BF5;
	p2 =	por !p2, p0  }
0x20: {  	[sflag:s8] =	ssyncset.s32 @!p0 $0xFFFFF086;
	s6 =	sadd.s32 @!p0 s3, s7;
	s7 =	simm.s32 @!p0 $0x108  }
0x21: {  	s3 =	sadd.s32 s3, s9;
	s6 =	sadd.s32 @!p0 $0x88, s6;
	s7 =	simm.s32 @p2 $0x1082  }
0x22: {  	[simem:s7], [sflag:s8] =	dma.local @!p0 [hbm:s6], $0xF7A  }
0x23: {  	s9 =	sor.u32 $0xD0000000, s2;
	s6 =	simm.s32 $0x108;
	_ =	swait.ge @!p0 [sflag:s8], $0x0  }
0x24: {  	s3 =	sadd.s32 $0x88, s3;
	s6 =	simm.s32 @!p1 $0x1082;
	[sflag:s4] =	ssyncset.s32 $0xFFFFF086  }
0x25: {  	[simem:s6], [sflag:s4] =	dma.local [hbm:s3], $0xF7A  }
0x26: {  	[smem:$0x3F9C] =	sst s1;
	(tag) =	ssettag s2;
	_ =	strace s9  }
0x27: {  	s1 =	sld [smem:$0x3FAC]  }
0x28: {  	s2 =	sld [smem:$0x3FAD]  }
0x29: {  	s4 =	sld [smem:$0x3FAF]  }
0x2a: {  	p0 =	seq.s32 s5, $0x0;
	s5 =	sld [smem:$0x3FB0]  }
0x2b: {  	s6 =	sld [smem:$0x3FB1]  }
0x2c: {  	s7 =	sld [smem:$0x3FB2]  }
0x2d: {  	s3 =	simm.s32 $0x108;
	s8 =	sld [smem:$0x3FB3]  }
0x2e: {  	s3 =	simm.s32 @!p0 $0x1082;
	s9 =	sld [smem:$0x3FB4]  }
0x2f: {  	lr =	sadd.s32 s0, s3;
	s0 =	sld [smem:$0x3FAB]  }
0x30: {  	s3 =	sld [smem:$0x3FAE]  }
0x31: {  	[smem:$0x3FB7] =	sst s10  }
0x32: {  	s10 =	sld [smem:$0x3FB5];
	_ =	sdelay $0x3  }
0x33: {  	p0 =	seq.s32 s10, $0x1;
	s10 =	sld [smem:$0x3FB7];
	_ =	sdelay $0x3  }
0x34: {  	[smem:$0x3FB7] =	sst s10  }
0x35: {  	s10 =	sld [smem:$0x3FB6];
	_ =	sdelay $0x3  }
0x36: {  	p1 =	seq.s32 s10, $0x1;
	s10 =	sld [smem:$0x3FB7];
	_ =	sdelay $0x3  }
0x37: {  	[smem:$0x3FB7] =	sst s10  }
0x38: {  	s10 =	sld [smem:$0x3FB8]  }
0x39: {  	_ = 	snop;
	(pc) =	sbr.ind lr, $3  }
0x3a: {  	_ = 	snop  }
0x3b: {  	_ = 	snop  }
0x3c: {  	p2 =	seq.s32 s10, $0x1;
	s10 =	sld [smem:$0x3FB7]  }
0x3d: {  	_ =	shalt  }
0x3e: {  	_ =	shalt  }
0x3f: {  	_ =	shalt  }
0x40: {  	_ =	shalt  }
0x41: {  	_ =	shalt  }
0x42: {  	_ =	shalt  }
0x43: {  	_ =	shalt  }
0x44: {  	_ =	shalt  }
0x45: {  	_ =	shalt  }
0x46: {  	_ =	shalt  }
0x47: {  	_ =	shalt  }
0x48: {  	_ =	shalt  }
0x49: {  	_ =	shalt  }
0x4a: {  	_ =	shalt  }
0x4b: {  	_ =	shalt  }
0x4c: {  	_ =	shalt  }
0x4d: {  	_ =	shalt  }
0x4e: {  	_ =	shalt  }
0x4f: {  	_ =	shalt  }
0x50: {  	_ =	shalt  }
0x51: {  	_ =	shalt  }
0x52: {  	_ =	shalt  }
0x53: {  	_ =	shalt  }
0x54: {  	_ =	shalt  }
0x55: {  	_ =	shalt  }
0x56: {  	_ =	shalt  }
0x57: {  	_ =	shalt  }
0x58: {  	_ =	shalt  }
0x59: {  	_ =	shalt  }
0x5a: {  	_ =	shalt  }
0x5b: {  	_ =	shalt  }
0x5c: {  	_ =	shalt  }
0x5d: {  	_ =	shalt  }
0x5e: {  	_ =	shalt  }
0x5f: {  	_ =	shalt  }
0x60: {  	_ =	shalt  }
0x61: {  	_ =	shalt  }
0x62: {  	_ =	shalt  }
0x63: {  	_ =	shalt  }
0x64: {  	_ =	shalt  }
0x65: {  	_ =	shalt  }
0x66: {  	_ =	shalt  }
0x67: {  	_ =	shalt  }
0x68: {  	_ =	shalt  }
0x69: {  	_ =	shalt  }
0x6a: {  	_ =	shalt  }
0x6b: {  	_ =	shalt  }
0x6c: {  	_ =	shalt  }
0x6d: {  	_ =	shalt  }
0x6e: {  	_ =	shalt  }
0x6f: {  	_ =	shalt  }
0x70: {  	_ =	shalt  }
0x71: {  	_ =	shalt  }
0x72: {  	_ =	shalt  }
0x73: {  	_ =	shalt  }
0x74: {  	_ =	shalt  }
0x75: {  	_ =	shalt  }
0x76: {  	_ =	shalt  }
0x77: {  	_ =	shalt  }
0x78: {  	_ =	shalt  }
0x79: {  	_ =	shalt  }
0x7a: {  	_ =	shalt  }
0x7b: {  	_ =	shalt  }
0x7c: {  	_ =	shalt  }
0x7d: {  	_ =	shalt  }
0x7e: {  	_ =	shalt  }
0x7f: {  	_ =	shalt  }
0x80: {  	_ =	shalt  }
0x81: {  	_ =	shalt  }
0x82: {  	_ =	shalt  }
0x83: {  	_ =	shalt  }
0x84: {  	_ =	shalt  }
0x85: {  	_ =	shalt  }
0x86: {  	_ =	shalt  }
0x87: {  	_ =	shalt  }
.Lfunc_end0:
.L_simem_size_0:
called_computation.2_lowered:
.L_overlay_start_0:
0x88: {  	s2 =	sld [smem:$0x3FD9]  }
0x89: {  	s3 =	sld [smem:$0x3FFE];
	_ =	sdelay $0x1  }
0x8a: {  	s1 =	srdreg.scid  }
0x8b: {  	s0 =	sand.u32 $0x1, s1  }
0x8c: {  	s16 =	sshll.u32 s0, $0xA;
	s2 =	sadd.s32 s3, s2  }
0x8d: {  	s2 =	sadd.s32 s2, s16  }
0x8e: {  	[smem:$0x3FC3] =	sst s2  }
0x8f: {  	_ = 	snop  }
0x90: {  	(tm) =	ssettm $0x1  }
0x91: {  	s17 =	sld [smem:$0x3FFB];
	_ =	sdelay $0x3  }
0x92: {  	_ =	strace s17  }
0x93: {  	s2 =	sld [smem:$0x3FFC];
	_ =	sdelay $0x3  }
0x94: {  	_ =	strace s2  }
0x95: {  	s2 =	sld [smem:$0x3FFD];
	_ =	sdelay $0x3  }
0x96: {  	_ =	strace s2  }
0x97: {  	_ =	strace $0x8FFFFFFF  }
0x98: {  	s18 =	sld [smem:$0x3FDB];
	_ =	sdelay $0x1  }
0x99: {  	s19 =	simm.s32 $_scs_section_size  }
0x9a: {  	s4 =	simm.s32 $_size__tile_overlayer_lowered;
	s5 =	simm.s32 $_tile_overlayer_lowered  }
0x9b: {  	s22 =	simm.s32 $0x1BFF;
	s21 =	sshll.u32 s5, $0x1;
	s2 =	sadd.s32 s19, s18  }
0x9c: {  	s6 =	simm.s32 $0x0;
	s20 =	sshll.u32 s4, $0x1;
	s4 =	sadd.s32 s21, s2  }
0x9d: {  	[timem:s6], [sflag:s22] =	dma.local [hbm:s4], s20  }
0x9e: {  	_ =	swait.ge [sflag:s22], s20  }
0x9f: {  	s3 =	ssub.s32 $0x0, s20;
	[sflag:s22] =	ssyncset.done $0x0  }
0xa0: {  	[sflag:s22] =	ssyncadd.s32 s3;
	_ =	sdelay $0x1  }
0xa1: {  	s23 =	simm.s32 $0x1B8B  }
0xa2: {  	_ =	swait.ge [sflag:s23], $0x1  }
0xa3: {  	[sflag:s23] =	ssyncset.done $0x0  }
0xa4: {  	s25 =	simm.s32 $0x1B8E;
	s24 =	sld [smem:$0x3FFE];
	[sflag:s23] =	ssyncadd.s32 $0xFFFFFFFF  }
0xa5: {  	s26 =	simm.s32 $execute0_lowered;
	[smem:$0x3FD2] =	sst s25  }
0xa6: {  	s4 =	sshll.u32 s26, $0x1;
	_ =	strace $0x8000004C;
	[dreg:$0x1] =	wrdreg $0xFFFFFFFF  }
0xa7: {  	s28 =	simm.s32 $_size_execute0_lowered;
	s2 =	sadd.s32 s2, s4;
	[dreg:$0x0] =	wrdreg $0x0  }
0xa8: {  	s4 =	sshll.u32 s28, $0x1;
	[dreg:$0x2] =	wrdreg s2  }
0xa9: {  	[dreg:$0x3] =	wrdreg s4  }
0xaa: {  	[dreg:$0x4] =	wrdreg $0xC0  }
0xab: {  	_ =	task [dreg:s6], $0x5FFFF  }
0xac: {  	[dreg:$0x1] =	wrdreg $0xFFFFFFFF  }
0xad: {  	[dreg:$0x0] =	wrdreg $0x60  }
0xae: {  	[dreg:$0x2] =	wrdreg s24  }
0xaf: {  	[dreg:$0x3] =	wrdreg $0x9  }
0xb0: {  	_ =	task.clear_ibuf [dreg:s6], $0x4FFFF;
	_ =	strace $0x9000004C  }
0xb1: {  	s29 =	simm.s32 $0x9;
	_ =	strace $0x8000004E  }
0xb2: {  	_ =	swait.ge [sflag:s29], $0x1  }
0xb3: {  	[sflag:s29] =	ssyncadd.s32 $0xFFFFFFFF  }
0xb4: {  	_ =	strace $0x9000004E  }
0xb5: {  	_ =	sfence  }
0xb6: {  	s30 =	sld [smem:$0x0];
	_ =	sdelay $0x2  }
0xb7: {  	s31 =	sshll.u32 s1, $0xD;
	s1 =	sshrl.u32 s1, $0x2  }
0xb8: {  	s3 =	sand.u32 $0x4000, s31;
	s1 =	sadd.s32 s1, s30  }
0xb9: {  	s0 =	sor.u32 s3, s0;
	s1 =	sshll.u32 s1, $0x11  }
0xba: {  	s0 =	sor.u32 s1, s0  }
0xbb: {  	s0 =	sadd.s32 $0x8F2B, s0  }
0xbc: {  	[sflag:s0] =	ssyncadd.remote.s32 $0x1  }
0xbd: {  	_ =	sfence.sel $0xFFFF  }
0xbe: {  	[dreg:$0x0] =	wrdreg $0xFFFFFFFF;
	(pc) =	sbr.abs _section_cstart, $3  }
0xbf: {  	[dreg:$0x1] =	wrdreg $0xFFFFFFFF  }
0xc0: {  	_ =	task.clear_ibuf [dreg:s6], $0x2FFFF;
	_ =	strace $0x9FFFFFFF  }
0xc1: {  	(tm) =	ssettm $0x7FFFFFFF  }
tec
execute0_lowered:
.L_overlay_start_1:
0x0: {  	(tag) =	ssettag $0x1  }
0x1: {  	s1 =	srdreg.scid  }
0x2: {  	s0 =	stileid.u32;
	s4 =	rddreg [dreg:$0x0];
	s2 =	simm.s32 $0x0  }
0x3: {  	s9 =	simm.s32 $0x400;
	s10 =	simm.s32 $0x1;
	s11 =	simm.s32 $0x14000  }
0x4: {  	s12 =	simm.s32 $0x19000;
	s3 =	sand.u32 $0x1, s1;
	s5 =	smul.u32 $0x14000, s0  }
0x5: {  	s13 =	simm.s32 $0xA000;
	s1 =	rddreg [dreg:$0x1];
	s6 =	sshll.u32 s3, $0x9  }
0x6: {  	s14 =	simm.s32 $0x0;
	[smem:$0x7FF] =	sst s2;
	s5 =	sor.u32 s6, s5  }
0x7: {  	_ =	strace $0x8000004D;
	s30 =	ssub.s32 $0x2, s3;
	s5 =	sshrl.u32 s5, $0x3  }
0x8: {  	s3 =	sadd.s32 $0x2200, s4;
	s31 =	sshrl.u32 s30, $0x1;
	s7 =	sadd.s32 s5, s4  }
0x9: {  	s8 =	ssub.s32 s30, s31;
	s4 =	sadd.s32 $0x2A200, s4;
	s5 =	sadd.s32 $0x52200, s7  }
0xa: {  	v0 =	vimm.f32 $0.0e+00;
	s6 =	sadd.s32 $0x7A200, s7;
	s7 =	smax.u32 s8, $0x1;
	s8 =	simm.s32 $0x200  }
.LBB2_1:
0xb: {  	[tilespmem:s2], [sflag:$0x1] =	stream.strided.gather [hbm4b:s5+s8], $0xA000, s9, s8, $0x38;
	[tilespmem:$0x1E000] =	vst v63  }
0xc: {  	_ =	swait.ge [sflag:s10], $0xA000  }
0xd: {  	s15 =	sand.u32 $0x70, s2;
	s16 =	sand.u32 $0xFE00, s2;
	[sflag:s10] =	ssyncset.done $0x0  }
0xe: {  	s16 =	sor.u32 s15, s16;
	[sflag:s10] =	ssyncadd.s32 $0xFFFF6000  }
0xf: {  	s17 =	simm.s32 $0x0;
	s15 =	simm.s32 $0x10;
	[tilespmem:s16+$0xA000] =	vst v0  }
.LBB2_2:
0x10: {  	p0 =	sne.s32 s15, $0x27F0  }
.Ltmp0:
0x11: {  	_ = 	snop;
	(pc) =	sbr.rel @p0 .LBB2_2-.Ltmp0, $4  }
0x12: {  	s17 =	sadd.s32 $0x40, s17  }
0x13: {  	s16 =	sand.u32 $0x70, s15;
	s18 =	sand.u32 $0xFE00, s17  }
0x14: {  	s16 =	sor.u32 s16, s18  }
0x15: {  	s15 =	sadd.s32 $0x10, s15;
	[tilespmem:s16+$0xA000] =	vst v0;
	s16 =	simm.s32 $0x0  }
0x16: {  	s15 =	sand.u32 $0x70, s16;
	s17 =	sand.u32 $0xFE00, s16  }
0x17: {  	s15 =	sor.u32 s15, s17  }
0x18: {  	s18 =	simm.s32 $0x0;
	s17 =	simm.s32 $0x10;
	[tilespmem:s15+$0xA080] =	vst v0  }
.LBB2_4:
0x19: {  	p0 =	sne.s32 s17, $0x27F0  }
.Ltmp1:
0x1a: {  	_ = 	snop;
	(pc) =	sbr.rel @p0 .LBB2_4-.Ltmp1, $4  }
0x1b: {  	s18 =	sadd.s32 $0x40, s18  }
0x1c: {  	s19 =	sand.u32 $0x70, s17;
	s20 =	sand.u32 $0xFE00, s18  }
0x1d: {  	s19 =	sor.u32 s19, s20  }
0x1e: {  	s17 =	sadd.s32 $0x10, s17;
	[tilespmem:s19+$0xA080] =	vst v0  }
0x1f: {  	s17 =	simm.s32 $0x10;
	[tilespmem:s15+$0xA100] =	vst v0  }
.LBB2_6:
0x20: {  	p0 =	sne.s32 s17, $0x27F0  }
.Ltmp2:
0x21: {  	_ = 	snop;
	(pc) =	sbr.rel @p0 .LBB2_6-.Ltmp2, $4  }
0x22: {  	s16 =	sadd.s32 $0x40, s16  }
0x23: {  	s15 =	sand.u32 $0x70, s17;
	s18 =	sand.u32 $0xFE00, s16  }
0x24: {  	s15 =	sor.u32 s15, s18  }
0x25: {  	s17 =	sadd.s32 $0x10, s17;
	[tilespmem:s15+$0xA100] =	vst v0;
	s15 =	simm.s32 $0x0  }
0x26: {  	s16 =	sand.u32 $0x70, s15;
	s17 =	sand.u32 $0xFE00, s15  }
0x27: {  	s17 =	sor.u32 s16, s17  }
0x28: {  	s16 =	simm.s32 $0x10;
	[tilespmem:s17+$0xA180] =	vst v0;
	s17 =	simm.s32 $0x0  }
.LBB2_8:
0x29: {  	p0 =	sne.s32 s16, $0x27F0  }
.Ltmp3:
0x2a: {  	_ = 	snop;
	(pc) =	sbr.rel @p0 .LBB2_8-.Ltmp3, $4  }
0x2b: {  	s17 =	sadd.s32 $0x40, s17  }
0x2c: {  	s18 =	sand.u32 $0x70, s16;
	s19 =	sand.u32 $0xFE00, s17  }
0x2d: {  	s18 =	sor.u32 s18, s19  }
0x2e: {  	s16 =	sadd.s32 $0x10, s16;
	[tilespmem:s18+$0xA180] =	vst v0  }
0x2f: {  	s16 =	simm.s32 $0x0  }
.LBB2_10:
0x30: {  	s17 =	smul.u32 $0xA00, s16;
	_ =	sdelay $0x1  }
0x31: {  	s19 =	simm.s32 $0x0;
	s18 =	sadd.s32 s3, s17  }
0x32: {  	[tilespmem:s11], [sflag:$0x1] =	stream.linear.gather [hbm4b:s18+s19], $0x5000, $0x38;
	[tilespmem:$0x1E000] =	vst v63  }
0x33: {  	_ =	swait.ge [sflag:s10], $0x5000  }
0x34: {  	[sflag:s10] =	ssyncset.done $0x0  }
0x35: {  	s17 =	sadd.s32 s4, s17;
	[sflag:s10] =	ssyncadd.s32 $0xFFFFB000  }
0x36: {  	[tilespmem:s12], [sflag:$0x1] =	stream.linear.gather [hbm4b:s17+s19], $0x5000, $0x38;
	[tilespmem:$0x1E000] =	vst v63  }
0x37: {  	v1 =	vmov s15;
	_ =	swait.ge [sflag:s10], $0x5000  }
0x38: {  	v2 =	vshll.u32 v1, $0x2;
	[sflag:s10] =	ssyncset.done $0x0  }
0x39: {  	s31 =	simm.s32 $0x0;
	v1 =	vand.u32 $0x7F, v1;
	v2 =	vand.u32 $0x1FE00, v2;
	[sflag:s10] =	ssyncadd.s32 $0xFFFFB000  }
0x3a: {  	v1 =	vor.u32 v1, v2;
	v2 =	vld [tilespmem:s31+$0x14000]  }
0x3b: {  	v3 =	vor.u32 $0x80, v1  }
0x3c: {  	v4 =	vor.u32 $0x100, v1  }
0x3d: {  	v5 =	vor.u32 $0x180, v1  }
0x3e: {  	v6 =	vld [tilespmem:s31+$0x19000]  }
0x3f: {  	v1 =	vld.idx.msk [tilespmem:v1+s2+$0x0], $0xffff;
	v7 =	vshll.u32 v2, $0x2  }
0x40: {  	v3 =	vld.idx.msk [tilespmem:v3+s2+$0x0], $0xffff;
	vm0 =	vne.s32 v2, $0x2710;
	v2 =	vand.u32 $0x7F, v2;
	v7 =	vand.u32 $0xFFFFFE00, v7  }
0x41: {  	v4 =	vld.idx.msk [tilespmem:v4+s2+$0x0], $0xffff;
	v2 =	vor.u32 v2, v7  }
0x42: {  	v5 =	vld.idx.msk [tilespmem:v5+s2+$0x0], $0xffff;
	v7 =	vor.u32 $0x80, v2  }
0x43: {  	v8 =	vor.u32 $0x100, v2  }
0x44: {  	v9 =	vmul.f32 v6, v1;
	v10 =	vor.u32 $0x180, v2  }
0x45: {  	v11 =	vmul.f32 v6, v3  }
0x46: {  	[tilespmem:v2+s13+$0x0] =	vst.idx.add.f32.msk vm0, v9;
	v2 =	vmul.f32 v6, v4  }
0x47: {  	v6 =	vmul.f32 v6, v5;
	[tilespmem:v7+s13+$0x0] =	vst.idx.add.f32.msk vm0, v11  }
0x48: {  	[tilespmem:v8+s13+$0x0] =	vst.idx.add.f32.msk vm0, v2  }
0x49: {  	[tilespmem:v10+s13+$0x0] =	vst.idx.add.f32.msk vm0, v6  }
0x4a: {  	v2 =	vld [tilespmem:s31+$0x14010];
	_ =	sdelay $0x4  }
0x4b: {  	v6 =	vld [tilespmem:s31+$0x19010];
	v7 =	vshll.u32 v2, $0x2  }
0x4c: {  	vm0 =	vne.s32 v2, $0x2710;
	v2 =	vand.u32 $0x7F, v2;
	v7 =	vand.u32 $0xFFFFFE00, v7  }
0x4d: {  	v2 =	vor.u32 v2, v7;
	_ =	sdelay $0x2  }
0x4e: {  	v1 =	vmul.f32 v6, v1;
	v7 =	vor.u32 $0x80, v2  }
0x4f: {  	v61 =	vor.u32 $0x100, v2  }
0x50: {  	[tilespmem:v2+s13+$0x0] =	vst.idx.add.f32.msk vm0, v1;
	v1 =	vor.u32 $0x180, v2  }
0x51: {  	s18 =	sadd.s32 $0x1, s15;
	v3 =	vmul.f32 v6, v3  }
0x52: {  	v62 =	vmul.f32 v6, v4;
	v4 =	vmov s18  }
0x53: {  	v63 =	vshll.u32 v4, $0x2;
	v2 =	vmul.f32 v6, v5;
	[tilespmem:v7+s13+$0x0] =	vst.idx.add.f32.msk vm0, v3  }
0x54: {  	s17 =	simm.s32 $0x80;
	s19 =	simm.s32 $0x400;
	v3 =	vand.u32 $0x7F, v4;
	v4 =	vand.u32 $0x1FE00, v63;
	[tilespmem:v61+s13+$0x0] =	vst.idx.add.f32.msk vm0, v62  }
.LBB2_11:
0x55: {  	s20 =	sshra.s32 s19, $0x2;
	p0 =	sne.s32 s19, $0x13E00;
	s19 =	sadd.s32 $0x200, s19;
	v3 =	vor.u32 v3, v4;
	[tilespmem:v1+s13+$0x0] =	vst.idx.add.f32.msk vm0, v2  }
0x56: {  	v1 =	vor.u32 $0x80, v3;
	v2 =	vor.u32 $0x100, v3;
	v4 =	vor.u32 $0x180, v3;
	v5 =	vld [tilespmem:s17+$0x14000];
	_ =	sdelay $0x2  }
0x57: {  	v6 =	vld [tilespmem:s17+$0x19000]  }
0x58: {  	v3 =	vld.idx.msk [tilespmem:v3+s2+$0x0], $0xffff  }
0x59: {  	v1 =	vld.idx.msk [tilespmem:v1+s2+$0x0], $0xffff;
	v7 =	vshll.u32 v5, $0x2  }
0x5a: {  	vm0 =	vne.s32 v5, $0x2710;
	v5 =	vand.u32 $0x7F, v5;
	v2 =	vld.idx.msk [tilespmem:v2+s2+$0x0], $0xffff;
	v7 =	vand.u32 $0xFFFFFE00, v7  }
0x5b: {  	v4 =	vld.idx.msk [tilespmem:v4+s2+$0x0], $0xffff;
	v5 =	vor.u32 v5, v7  }
0x5c: {  	v7 =	vor.u32 $0x80, v5  }
0x5d: {  	v8 =	vor.u32 $0x100, v5  }
0x5e: {  	v10 =	vor.u32 $0x180, v5;
	v9 =	vmul.f32 v6, v3  }
0x5f: {  	v11 =	vmul.f32 v6, v1  }
0x60: {  	[tilespmem:v5+s13+$0x0] =	vst.idx.add.f32.msk vm0, v9;
	v5 =	vmul.f32 v6, v2  }
0x61: {  	v6 =	vmul.f32 v6, v4;
	[tilespmem:v7+s13+$0x0] =	vst.idx.add.f32.msk vm0, v11  }
0x62: {  	[tilespmem:v8+s13+$0x0] =	vst.idx.add.f32.msk vm0, v5  }
0x63: {  	[tilespmem:v10+s13+$0x0] =	vst.idx.add.f32.msk vm0, v6  }
0x64: {  	v5 =	vld [tilespmem:s17+$0x14010];
	_ =	sdelay $0x4  }
0x65: {  	v6 =	vld [tilespmem:s17+$0x19010];
	v7 =	vshll.u32 v5, $0x2;
	s17 =	smov.u32 s20  }
0x66: {  	vm0 =	vne.s32 v5, $0x2710;
	v5 =	vand.u32 $0x7F, v5;
	v7 =	vand.u32 $0xFFFFFE00, v7  }
0x67: {  	v5 =	vor.u32 v5, v7  }
0x68: {  	v7 =	vor.u32 $0x80, v5  }
0x69: {  	v8 =	vor.u32 $0x100, v5  }
.Ltmp4:
0x6a: {  	v3 =	vmul.f32 v6, v3;
	v9 =	vmul.f32 v6, v1;
	v1 =	vor.u32 $0x180, v5;
	(pc) =	sbr.rel @p0 .LBB2_11-.Ltmp4, $4  }
0x6b: {  	s18 =	sadd.s32 $0x1, s18;
	v10 =	vmul.f32 v6, v2;
	v2 =	vmul.f32 v6, v4  }
0x6c: {  	v4 =	vmov s18;
	[tilespmem:v5+s13+$0x0] =	vst.idx.add.f32.msk vm0, v3  }
0x6d: {  	v5 =	vshll.u32 v4, $0x2;
	[tilespmem:v7+s13+$0x0] =	vst.idx.add.f32.msk vm0, v9  }
0x6e: {  	v3 =	vand.u32 $0x7F, v4;
	v4 =	vand.u32 $0x1FE00, v5;
	[tilespmem:v8+s13+$0x0] =	vst.idx.add.f32.msk vm0, v10  }
0x6f: {  	_ =	sdelay $0x4  }
0x70: {  	[tilespmem:v1+s13+$0x0] =	vst.idx.add.f32.msk vm0, v2  }
0x71: {  	v1 =	vor.u32 v3, v4;
	v2 =	vld [tilespmem:s17+$0x14000]  }
0x72: {  	v3 =	vor.u32 $0x80, v1  }
0x73: {  	v4 =	vor.u32 $0x100, v1  }
0x74: {  	v5 =	vor.u32 $0x180, v1  }
0x75: {  	v6 =	vld [tilespmem:s17+$0x19000]  }
0x76: {  	v1 =	vld.idx.msk [tilespmem:v1+s2+$0x0], $0xffff;
	v7 =	vshll.u32 v2, $0x2  }
0x77: {  	v3 =	vld.idx.msk [tilespmem:v3+s2+$0x0], $0xffff;
	vm14 =	vne.s32 v2, $0x2710;
	v2 =	vand.u32 $0x7F, v2;
	v7 =	vand.u32 $0xFFFFFE00, v7  }
0x78: {  	v4 =	vld.idx.msk [tilespmem:v4+s2+$0x0], $0xffff;
	v2 =	vor.u32 v2, v7  }
0x79: {  	v5 =	vld.idx.msk [tilespmem:v5+s2+$0x0], $0xffff;
	v7 =	vor.u32 $0x80, v2  }
0x7a: {  	v8 =	vor.u32 $0x100, v2  }
0x7b: {  	v10 =	vor.u32 $0x180, v2;
	v9 =	vmul.f32 v6, v1  }
0x7c: {  	v11 =	vmul.f32 v6, v3  }
0x7d: {  	[tilespmem:v2+s13+$0x0] =	vst.idx.add.f32.msk vm14, v9;
	v2 =	vmul.f32 v6, v4  }
0x7e: {  	v6 =	vmul.f32 v6, v5;
	[tilespmem:v7+s13+$0x0] =	vst.idx.add.f32.msk vm14, v11  }
0x7f: {  	[tilespmem:v8+s13+$0x0] =	vst.idx.add.f32.msk vm14, v2  }
0x80: {  	[tilespmem:v10+s13+$0x0] =	vst.idx.add.f32.msk vm14, v6  }
0x81: {  	v2 =	vld [tilespmem:s17+$0x14010];
	_ =	sdelay $0x4  }
0x82: {  	v6 =	vld [tilespmem:s17+$0x19010];
	v61 =	vshll.u32 v2, $0x2  }
0x83: {  	vm15 =	vne.s32 v2, $0x2710;
	v2 =	vand.u32 $0x7F, v2;
	v7 =	vand.u32 $0xFFFFFE00, v61  }
0x84: {  	v2 =	vor.u32 v2, v7  }
0x85: {  	v7 =	vor.u32 $0x80, v2  }
0x86: {  	s16 =	sadd.s32 $0x1, s16;
	v62 =	vor.u32 $0x100, v2  }
0x87: {  	p0 =	sne.s32 s16, $0x40;
	v1 =	vmul.f32 v6, v1;
	v63 =	vor.u32 $0x180, v2  }
.Ltmp5:
0x88: {  	v3 =	vmul.f32 v6, v3;
	(pc) =	sbr.rel @p0 .LBB2_10-.Ltmp5, $4  }
0x89: {  	v4 =	vmul.f32 v6, v4;
	[tilespmem:v2+s13+$0x0] =	vst.idx.add.f32.msk vm15, v1  }
0x8a: {  	v1 =	vmul.f32 v6, v5;
	[tilespmem:v7+s13+$0x0] =	vst.idx.add.f32.msk vm15, v3  }
0x8b: {  	[tilespmem:v62+s13+$0x0] =	vst.idx.add.f32.msk vm15, v4  }
0x8c: {  	s15 =	sadd.s32 $0xA0, s15;
	[tilespmem:v63+s13+$0x0] =	vst.idx.add.f32.msk vm15, v1  }
0x8d: {  	s14 =	sadd.s32 $0x1, s14  }
0x8e: {  	p0 =	sne.s32 s14, s7  }
.Ltmp6:
0x8f: {  	_ = 	snop;
	(pc) =	sbr.rel @p0 .LBB2_1-.Ltmp6, $4  }
0x90: {  	[hbm4b:s6+s8] =	stream.strided.scatter [tilespmem:s13], [sflag:$0x1], $0xA000, s9, s8, $0x38;
	[tilespmem:$0x1E000] =	vst v63  }
0x91: {  	_ =	swait.ge [sflag:s10], $0xA000  }
0x92: {  	[sflag:s10] =	ssyncset.done $0x0  }
0x93: {  	[sflag:s10] =	ssyncadd.s32 $0xFFFF6000  }
0x94: {  	_ =	sfence.sel $0x180000  }
0x95: {  	[bflag:$0x0] =	sbarrier.arrive $0xFFFF  }
0x96: {  	p0 =	sne.s32 s0, $0x0;
	_ =	strace $0x9000004D  }
0x97: {  	s0 =	sadd.s32 @!p0 $0x100000, s1;
	[bflag:$0x2] =	sbarrier.arrive $0xFFFF  }
0x98: {  	[sflag:s0] =	ssyncadd.tile.s32 @!p0 $0x1;
	_ =	shalt  }
.Lfunc_end2:
_tile_overlayer_lowered:
.L_overlay_start_2:
0x99: {  	(tag) =	ssettag $0x2  }
0x9a: {  	s0 =	rddreg [dreg:$0x0];
	s2 =	stileid.u32  }
0x9b: {  	s1 =	rddreg [dreg:$0x1];
	p0 =	sne.s32 s2, $0x0  }
0x9c: {  	s3 =	rddreg [dreg:$0x2];
	[bflag:$0x3] =	sbarrier.arrive $0xFFFF;
	s2 =	simm.s32 @!p0 $0x1C01  }
0x9d: {  	[timem:s3], [sflag:s2] =	dma.local @!p0 [hbm:s0], s1  }
0x9e: {  	s0 =	simm.s32 @!p0 $0x1  }
0x9f: {  	_ =	swait.ge @!p0 [sflag:s0], s1  }
0xa0: {  	s1 =	ssub.s32 @!p0 $0x0, s1;
	[sflag:s0] =	ssyncset.done @!p0 $0x0  }
0xa1: {  	[sflag:s0] =	ssyncadd.s32 @!p0 s1  }
0xa2: {  	[bflag:$0x3] =	sbarrier.arrive $0xFFFF  }
0xa3: {  	_ =	shalt  }

</sc_bundles>
